<compile_context>
chip_gen: v7x
topology: tpu7x:2x2x1
jax: 0.10.2.dev20260603
libtpu: 0.0.44.dev20260713+nightly
codegen_flags: <defaults>
</compile_context>

<pallas_src>
import functools

import jax
import jax.numpy as jnp
from jax import lax
from jax.experimental import pallas as pl
from jax.experimental.pallas import tpu as pltpu
from jax.experimental.pallas import tpu_sc as plsc

_NUM_TOKENS = 16384
_D_MODEL = 2048
_NUM_EXPERTS = 16
_BLOCK_T = 1024
_GRID = _NUM_TOKENS // _BLOCK_T

_NUM_WORKERS = 32
_TOK_PER_W = _NUM_TOKENS // _NUM_WORKERS
_LANES = 16


def _tc_body(x_ref, w_ref, lt_ref, loss_ref, acc_ref):
    step = pl.program_id(0)

    @pl.when(step == 0)
    def _init():
        acc_ref[...] = jnp.zeros_like(acc_ref)

    w = w_ref[...]
    logits = jax.lax.dot_general(
        x_ref[...], w, (((1,), (1,)), ((), ())),
        preferred_element_type=jnp.float32)
    lt = logits.T
    lt_ref[:, pl.ds(step * _BLOCK_T, _BLOCK_T)] = lt

    m = jnp.max(lt, axis=0, keepdims=True)
    e = jnp.exp(lt - m)
    s = jnp.sum(e, axis=0, keepdims=True)
    acc_ref[...] += jnp.sum(e / s, axis=1, keepdims=True)

    @pl.when(step == _GRID - 1)
    def _fin():
        p = acc_ref[...] / _NUM_TOKENS
        loss_ref[0, 0] = jnp.sum(p * jnp.log(p + 1e-8))


def _tc_logits(x, W):
    return pl.pallas_call(
        _tc_body,
        grid=(_GRID,),
        in_specs=[
            pl.BlockSpec((_BLOCK_T, _D_MODEL), lambda i: (i, 0)),
            pl.BlockSpec((_NUM_EXPERTS, _D_MODEL), lambda i: (0, 0)),
        ],
        out_specs=[
            pl.BlockSpec((_NUM_EXPERTS, _NUM_TOKENS), lambda i: (0, 0)),
            pl.BlockSpec(memory_space=pltpu.SMEM, block_shape=(1, 1),
                         index_map=lambda i: (0, 0)),
        ],
        out_shape=[
            jax.ShapeDtypeStruct((_NUM_EXPERTS, _NUM_TOKENS), jnp.float32),
            jax.ShapeDtypeStruct((1, 1), jnp.float32),
        ],
        scratch_shapes=[pltpu.VMEM((_NUM_EXPERTS, 1), jnp.float32)],
        compiler_params=pltpu.CompilerParams(
            dimension_semantics=("arbitrary",)),
    )(x, W)


@functools.partial(
    pl.kernel,
    out_type=[
        jax.ShapeDtypeStruct((2, _NUM_TOKENS), jnp.float32),
        jax.ShapeDtypeStruct((2, _NUM_TOKENS), jnp.int32),
    ],
    mesh=plsc.VectorSubcoreMesh(core_axis_name="c", subcore_axis_name="s"),
    scratch_types=[
        pltpu.VMEM((_NUM_EXPERTS, _TOK_PER_W), jnp.float32),
        pltpu.VMEM((2, _TOK_PER_W), jnp.float32),
        pltpu.VMEM((2, _TOK_PER_W), jnp.int32),
    ],
)
def _sc_route(lt_hbm, ts_hbm, ti_hbm, lt_v, ts_v, ti_v):
    wid = lax.axis_index("s") * 2 + lax.axis_index("c")
    base = wid * _TOK_PER_W
    pltpu.sync_copy(lt_hbm.at[:, pl.ds(base, _TOK_PER_W)], lt_v)

    def group(g, carry):
        col = g * _LANES
        rows = [lt_v[e, pl.ds(col, _LANES)] for e in range(_NUM_EXPERTS)]
        m = rows[0]
        for e in range(1, _NUM_EXPERTS):
            m = jnp.maximum(m, rows[e])
        exps = [jnp.exp(r - m) for r in rows]
        v1 = exps[0]
        for e in range(1, _NUM_EXPERTS):
            v1 = jnp.maximum(v1, exps[e])
        i1 = jnp.full((_LANES,), 16.0, dtype=jnp.float32)
        for e in range(_NUM_EXPERTS - 1, -1, -1):
            i1 = jnp.where(exps[e] == v1, jnp.float32(e), i1)
        neg = jnp.full((_LANES,), -jnp.inf, dtype=jnp.float32)
        v2 = neg
        for e in range(_NUM_EXPERTS):
            v2 = jnp.maximum(v2, jnp.where(i1 == jnp.float32(e), neg, exps[e]))
        i2 = jnp.full((_LANES,), 16.0, dtype=jnp.float32)
        for e in range(_NUM_EXPERTS - 1, -1, -1):
            hit = jnp.logical_and(exps[e] == v2, i1 != jnp.float32(e))
            i2 = jnp.where(hit, jnp.float32(e), i2)
        den = v1 + v2
        ts_v[0, pl.ds(col, _LANES)] = v1 / den
        ts_v[1, pl.ds(col, _LANES)] = v2 / den
        ti_v[0, pl.ds(col, _LANES)] = i1.astype(jnp.int32)
        ti_v[1, pl.ds(col, _LANES)] = i2.astype(jnp.int32)
        return carry

    lax.fori_loop(0, _TOK_PER_W // _LANES, group, 0)
    pltpu.sync_copy(ts_v, ts_hbm.at[:, pl.ds(base, _TOK_PER_W)])
    pltpu.sync_copy(ti_v, ti_hbm.at[:, pl.ds(base, _TOK_PER_W)])


def kernel(x, W):
    lt, loss = _tc_logits(x, W)
    ts_t, ti_t = _sc_route(lt)
    return ts_t.T, ti_t.T, loss.reshape(())

# --- scband reference (transcript-rebuilt; emitter-appended) ---
"""Pipeline reference for scband-mo-egate-1443109011472 (READ-ONLY COPY).

The authoritative reference and input builder live on the scoring server;
editing this copy changes nothing except your own understanding.
"""

import jax, jax.numpy as jnp
import numpy as np

D_MODEL = 2048
NUM_EXPERTS = 16
TOP_K = 2
NUM_TOKENS = 16384

def setup_inputs(seed: int = 0) -> dict:
    key = jax.random.key(seed)
    kx, kw = jax.random.split(key)
    x = jax.random.normal(kx, (NUM_TOKENS, D_MODEL), dtype=jnp.float32)
    # nn.Linear(d_model, num_experts, bias=False) weight: [num_experts, d_model]
    bound = 1.0 / np.sqrt(D_MODEL)
    W = jax.random.uniform(kw, (NUM_EXPERTS, D_MODEL), dtype=jnp.float32, minval=-bound, maxval=bound)
    return {"x": x, "W": W}

def reference(x, W):
    # logits = self.gate(x)
    logits = x @ W.T
    # scores = softmax(logits, dim=-1)
    scores = jax.nn.softmax(logits, axis=-1)
    # topk
    topk_scores, topk_indices = jax.lax.top_k(scores, TOP_K)
    # renormalize topk scores
    topk_scores = topk_scores / jnp.sum(topk_scores, axis=-1, keepdims=True)
    # load balancing loss
    expert_prob = jnp.mean(scores, axis=0)
    load_balancing_loss = jnp.sum(expert_prob * jnp.log(expert_prob + 1e-08))
    return (topk_scores, topk_indices, load_balancing_loss)

if __name__ == "__main__":
    import jax
    _d = setup_inputs()
    print(jax.jit(kernel)(*tuple(_d.values())))

</pallas_src>

<mosaic_0001>
#map = affine_map<(d0, d1) -> (0, 0)>
module attributes {stable_mosaic.version = 14 : i64} {
  func.func @_sc_route(%arg0: i32, %arg1: i32, %arg2: memref<16x16384xf32, #tpu.memory_space<hbm>>, %arg3: memref<2x16384xf32, #tpu.memory_space<hbm>>, %arg4: memref<2x16384xi32, #tpu.memory_space<hbm>>, %arg5: memref<16x512xf32, #tpu.memory_space<vmem>>, %arg6: memref<2x512xf32, #tpu.memory_space<vmem>>, %arg7: memref<2x512xi32, #tpu.memory_space<vmem>>) attributes {dimension_semantics = [#tpu.dimension_semantics<core_parallel>, #tpu.dimension_semantics<subcore_parallel>], iteration_bounds = array<i64: 2, 16>, scalar_prefetch = 0 : i64, scratch_operands = 3 : i64, tpu.core_type = #tpu.core_type<sc_vector_subcore>, window_params = [{transform_indices = #map}, {transform_indices = #map}, {transform_indices = #map}]} {
    %mul3A = arith.constant 2 : i32
    %mul3A_0 = arith.muli %arg1, %mul3A : i32
    %add3A = arith.addi %mul3A_0, %arg0 : i32
    %mul3A_1 = arith.constant 512 : i32
    %mul3A_2 = arith.muli %add3A, %mul3A_1 : i32
    "tpu.region"() ({
      %run_scoped3A = tpu.sem_alloc : memref<!tpu.dma_semaphore, #tpu.memory_space<semaphore_mem>>
      %dma_start3A = arith.constant 0 : i32
      %dma_start3A_8 = tpu.memref_slice %arg2[%dma_start3A, %mul3A_2] : memref<16x16384xf32, #tpu.memory_space<hbm>> -> memref<16x512xf32, #tpu.memory_space<hbm>>
      %dma_start3A_9 = arith.constant 0 : i32
      %dma_start3A_10 = tpu.memref_slice %arg2[%dma_start3A_9, %mul3A_2] : memref<16x16384xf32, #tpu.memory_space<hbm>> -> memref<16x512xf32, #tpu.memory_space<hbm>>
      tpu.enqueue_dma source(%dma_start3A_10 : memref<16x512xf32, #tpu.memory_space<hbm>>) target(%arg5 : memref<16x512xf32, #tpu.memory_space<vmem>>) target_semaphore(%run_scoped3A : memref<!tpu.dma_semaphore, #tpu.memory_space<semaphore_mem>>)
      %dma_wait3A = arith.constant 0 : i32
      %dma_wait3A_11 = tpu.memref_slice %arg2[%dma_wait3A, %mul3A_2] : memref<16x16384xf32, #tpu.memory_space<hbm>> -> memref<16x512xf32, #tpu.memory_space<hbm>>
      %dma_wait3A_12 = arith.constant 0 : i32
      %dma_wait3A_13 = tpu.memref_slice %arg2[%dma_wait3A_12, %mul3A_2] : memref<16x16384xf32, #tpu.memory_space<hbm>> -> memref<16x512xf32, #tpu.memory_space<hbm>>
      tpu.wait_dma2 semaphore(%run_scoped3A : memref<!tpu.dma_semaphore, #tpu.memory_space<semaphore_mem>>) src(%dma_wait3A_13 : memref<16x512xf32, #tpu.memory_space<hbm>>) dst(%arg5 : memref<16x512xf32, #tpu.memory_space<vmem>>)
      tpu.yield
    }) : () -> ()
    %scan3A = arith.constant 0 : i32
    %scan3A_3 = arith.constant 0 : i32
    %scan3A_4 = arith.constant 32 : i32
    %scan3A_5 = arith.addi %scan3A_3, %scan3A_4 : i32
    %scan3A_6 = arith.constant 1 : i32
    scf.for %scan3A_8 = %scan3A_3 to %scan3A_5 step %scan3A_6  : i32 {
      %mul3A_9 = arith.constant 16 : i32
      %mul3A_10 = arith.muli %scan3A_8, %mul3A_9 : i32
      %get3A = arith.constant 0 : i32
      %get3A_11 = arith.index_cast %get3A : i32 to index
      %get3A_12 = arith.index_cast %mul3A_10 : i32 to index
      %get3A_13 = tpu.vector_load %arg5[%get3A_11, %get3A_12] {strides = array<i32>} : memref<16x512xf32, #tpu.memory_space<vmem>>, vector<1x16xf32>,
      %get3A_14 = vector.shape_cast %get3A_13 : vector<1x16xf32> to vector<16xf32>
      %get3A_15 = arith.constant 1 : i32
      %get3A_16 = arith.index_cast %get3A_15 : i32 to index
      %get3A_17 = arith.index_cast %mul3A_10 : i32 to index
      %get3A_18 = tpu.vector_load %arg5[%get3A_16, %get3A_17] {strides = array<i32>} : memref<16x512xf32, #tpu.memory_space<vmem>>, vector<1x16xf32>,
      %get3A_19 = vector.shape_cast %get3A_18 : vector<1x16xf32> to vector<16xf32>
      %get3A_20 = arith.constant 2 : i32
      %get3A_21 = arith.index_cast %get3A_20 : i32 to index
      %get3A_22 = arith.index_cast %mul3A_10 : i32 to index
      %get3A_23 = tpu.vector_load %arg5[%get3A_21, %get3A_22] {strides = array<i32>} : memref<16x512xf32, #tpu.memory_space<vmem>>, vector<1x16xf32>,
      %get3A_24 = vector.shape_cast %get3A_23 : vector<1x16xf32> to vector<16xf32>
      %get3A_25 = arith.constant 3 : i32
      %get3A_26 = arith.index_cast %get3A_25 : i32 to index
      %get3A_27 = arith.index_cast %mul3A_10 : i32 to index
      %get3A_28 = tpu.vector_load %arg5[%get3A_26, %get3A_27] {strides = array<i32>} : memref<16x512xf32, #tpu.memory_space<vmem>>, vector<1x16xf32>,
      %get3A_29 = vector.shape_cast %get3A_28 : vector<1x16xf32> to vector<16xf32>
      %get3A_30 = arith.constant 4 : i32
      %get3A_31 = arith.index_cast %get3A_30 : i32 to index
      %get3A_32 = arith.index_cast %mul3A_10 : i32 to index
      %get3A_33 = tpu.vector_load %arg5[%get3A_31, %get3A_32] {strides = array<i32>} : memref<16x512xf32, #tpu.memory_space<vmem>>, vector<1x16xf32>,
      %get3A_34 = vector.shape_cast %get3A_33 : vector<1x16xf32> to vector<16xf32>
      %get3A_35 = arith.constant 5 : i32
      %get3A_36 = arith.index_cast %get3A_35 : i32 to index
      %get3A_37 = arith.index_cast %mul3A_10 : i32 to index
      %get3A_38 = tpu.vector_load %arg5[%get3A_36, %get3A_37] {strides = array<i32>} : memref<16x512xf32, #tpu.memory_space<vmem>>, vector<1x16xf32>,
      %get3A_39 = vector.shape_cast %get3A_38 : vector<1x16xf32> to vector<16xf32>
      %get3A_40 = arith.constant 6 : i32
      %get3A_41 = arith.index_cast %get3A_40 : i32 to index
      %get3A_42 = arith.index_cast %mul3A_10 : i32 to index
      %get3A_43 = tpu.vector_load %arg5[%get3A_41, %get3A_42] {strides = array<i32>} : memref<16x512xf32, #tpu.memory_space<vmem>>, vector<1x16xf32>,
      %get3A_44 = vector.shape_cast %get3A_43 : vector<1x16xf32> to vector<16xf32>
      %get3A_45 = arith.constant 7 : i32
      %get3A_46 = arith.index_cast %get3A_45 : i32 to index
      %get3A_47 = arith.index_cast %mul3A_10 : i32 to index
      %get3A_48 = tpu.vector_load %arg5[%get3A_46, %get3A_47] {strides = array<i32>} : memref<16x512xf32, #tpu.memory_space<vmem>>, vector<1x16xf32>,
      %get3A_49 = vector.shape_cast %get3A_48 : vector<1x16xf32> to vector<16xf32>
      %get3A_50 = arith.constant 8 : i32
      %get3A_51 = arith.index_cast %get3A_50 : i32 to index
      %get3A_52 = arith.index_cast %mul3A_10 : i32 to index
      %get3A_53 = tpu.vector_load %arg5[%get3A_51, %get3A_52] {strides = array<i32>} : memref<16x512xf32, #tpu.memory_space<vmem>>, vector<1x16xf32>,
      %get3A_54 = vector.shape_cast %get3A_53 : vector<1x16xf32> to vector<16xf32>
      %get3A_55 = arith.constant 9 : i32
      %get3A_56 = arith.index_cast %get3A_55 : i32 to index
      %get3A_57 = arith.index_cast %mul3A_10 : i32 to index
      %get3A_58 = tpu.vector_load %arg5[%get3A_56, %get3A_57] {strides = array<i32>} : memref<16x512xf32, #tpu.memory_space<vmem>>, vector<1x16xf32>,
      %get3A_59 = vector.shape_cast %get3A_58 : vector<1x16xf32> to vector<16xf32>
      %get3A_60 = arith.constant 10 : i32
      %get3A_61 = arith.index_cast %get3A_60 : i32 to index
      %get3A_62 = arith.index_cast %mul3A_10 : i32 to index
      %get3A_63 = tpu.vector_load %arg5[%get3A_61, %get3A_62] {strides = array<i32>} : memref<16x512xf32, #tpu.memory_space<vmem>>, vector<1x16xf32>,
      %get3A_64 = vector.shape_cast %get3A_63 : vector<1x16xf32> to vector<16xf32>
      %get3A_65 = arith.constant 11 : i32
      %get3A_66 = arith.index_cast %get3A_65 : i32 to index
      %get3A_67 = arith.index_cast %mul3A_10 : i32 to index
      %get3A_68 = tpu.vector_load %arg5[%get3A_66, %get3A_67] {strides = array<i32>} : memref<16x512xf32, #tpu.memory_space<vmem>>, vector<1x16xf32>,
      %get3A_69 = vector.shape_cast %get3A_68 : vector<1x16xf32> to vector<16xf32>
      %get3A_70 = arith.constant 12 : i32
      %get3A_71 = arith.index_cast %get3A_70 : i32 to index
      %get3A_72 = arith.index_cast %mul3A_10 : i32 to index
      %get3A_73 = tpu.vector_load %arg5[%get3A_71, %get3A_72] {strides = array<i32>} : memref<16x512xf32, #tpu.memory_space<vmem>>, vector<1x16xf32>,
      %get3A_74 = vector.shape_cast %get3A_73 : vector<1x16xf32> to vector<16xf32>
      %get3A_75 = arith.constant 13 : i32
      %get3A_76 = arith.index_cast %get3A_75 : i32 to index
      %get3A_77 = arith.index_cast %mul3A_10 : i32 to index
      %get3A_78 = tpu.vector_load %arg5[%get3A_76, %get3A_77] {strides = array<i32>} : memref<16x512xf32, #tpu.memory_space<vmem>>, vector<1x16xf32>,
      %get3A_79 = vector.shape_cast %get3A_78 : vector<1x16xf32> to vector<16xf32>
      %get3A_80 = arith.constant 14 : i32
      %get3A_81 = arith.index_cast %get3A_80 : i32 to index
      %get3A_82 = arith.index_cast %mul3A_10 : i32 to index
      %get3A_83 = tpu.vector_load %arg5[%get3A_81, %get3A_82] {strides = array<i32>} : memref<16x512xf32, #tpu.memory_space<vmem>>, vector<1x16xf32>,
      %get3A_84 = vector.shape_cast %get3A_83 : vector<1x16xf32> to vector<16xf32>
      %get3A_85 = arith.constant 15 : i32
      %get3A_86 = arith.index_cast %get3A_85 : i32 to index
      %get3A_87 = arith.index_cast %mul3A_10 : i32 to index
      %get3A_88 = tpu.vector_load %arg5[%get3A_86, %get3A_87] {strides = array<i32>} : memref<16x512xf32, #tpu.memory_space<vmem>>, vector<1x16xf32>,
      %get3A_89 = vector.shape_cast %get3A_88 : vector<1x16xf32> to vector<16xf32>
      %max3A = arith.maximumf %get3A_14, %get3A_19 : vector<16xf32>
      %max3A_90 = arith.maximumf %max3A, %get3A_24 : vector<16xf32>
      %max3A_91 = arith.maximumf %max3A_90, %get3A_29 : vector<16xf32>
      %max3A_92 = arith.maximumf %max3A_91, %get3A_34 : vector<16xf32>
      %max3A_93 = arith.maximumf %max3A_92, %get3A_39 : vector<16xf32>
      %max3A_94 = arith.maximumf %max3A_93, %get3A_44 : vector<16xf32>
      %max3A_95 = arith.maximumf %max3A_94, %get3A_49 : vector<16xf32>
      %max3A_96 = arith.maximumf %max3A_95, %get3A_54 : vector<16xf32>
      %max3A_97 = arith.maximumf %max3A_96, %get3A_59 : vector<16xf32>
      %max3A_98 = arith.maximumf %max3A_97, %get3A_64 : vector<16xf32>
      %max3A_99 = arith.maximumf %max3A_98, %get3A_69 : vector<16xf32>
      %max3A_100 = arith.maximumf %max3A_99, %get3A_74 : vector<16xf32>
      %max3A_101 = arith.maximumf %max3A_100, %get3A_79 : vector<16xf32>
      %max3A_102 = arith.maximumf %max3A_101, %get3A_84 : vector<16xf32>
      %max3A_103 = arith.maximumf %max3A_102, %get3A_89 : vector<16xf32>
      %sub3A = arith.subf %get3A_14, %max3A_103 : vector<16xf32>
      %exp3A = math.exp %sub3A : vector<16xf32>
      %sub3A_104 = arith.subf %get3A_19, %max3A_103 : vector<16xf32>
      %exp3A_105 = math.exp %sub3A_104 : vector<16xf32>
      %sub3A_106 = arith.subf %get3A_24, %max3A_103 : vector<16xf32>
      %exp3A_107 = math.exp %sub3A_106 : vector<16xf32>
      %sub3A_108 = arith.subf %get3A_29, %max3A_103 : vector<16xf32>
      %exp3A_109 = math.exp %sub3A_108 : vector<16xf32>
      %sub3A_110 = arith.subf %get3A_34, %max3A_103 : vector<16xf32>
      %exp3A_111 = math.exp %sub3A_110 : vector<16xf32>
      %sub3A_112 = arith.subf %get3A_39, %max3A_103 : vector<16xf32>
      %exp3A_113 = math.exp %sub3A_112 : vector<16xf32>
      %sub3A_114 = arith.subf %get3A_44, %max3A_103 : vector<16xf32>
      %exp3A_115 = math.exp %sub3A_114 : vector<16xf32>
      %sub3A_116 = arith.subf %get3A_49, %max3A_103 : vector<16xf32>
      %exp3A_117 = math.exp %sub3A_116 : vector<16xf32>
      %sub3A_118 = arith.subf %get3A_54, %max3A_103 : vector<16xf32>
      %exp3A_119 = math.exp %sub3A_118 : vector<16xf32>
      %sub3A_120 = arith.subf %get3A_59, %max3A_103 : vector<16xf32>
      %exp3A_121 = math.exp %sub3A_120 : vector<16xf32>
      %sub3A_122 = arith.subf %get3A_64, %max3A_103 : vector<16xf32>
      %exp3A_123 = math.exp %sub3A_122 : vector<16xf32>
      %sub3A_124 = arith.subf %get3A_69, %max3A_103 : vector<16xf32>
      %exp3A_125 = math.exp %sub3A_124 : vector<16xf32>
      %sub3A_126 = arith.subf %get3A_74, %max3A_103 : vector<16xf32>
      %exp3A_127 = math.exp %sub3A_126 : vector<16xf32>
      %sub3A_128 = arith.subf %get3A_79, %max3A_103 : vector<16xf32>
      %exp3A_129 = math.exp %sub3A_128 : vector<16xf32>
      %sub3A_130 = arith.subf %get3A_84, %max3A_103 : vector<16xf32>
      %exp3A_131 = math.exp %sub3A_130 : vector<16xf32>
      %sub3A_132 = arith.subf %get3A_89, %max3A_103 : vector<16xf32>
      %exp3A_133 = math.exp %sub3A_132 : vector<16xf32>
      %max3A_134 = arith.maximumf %exp3A, %exp3A_105 : vector<16xf32>
      %max3A_135 = arith.maximumf %max3A_134, %exp3A_107 : vector<16xf32>
      %max3A_136 = arith.maximumf %max3A_135, %exp3A_109 : vector<16xf32>
      %max3A_137 = arith.maximumf %max3A_136, %exp3A_111 : vector<16xf32>
      %max3A_138 = arith.maximumf %max3A_137, %exp3A_113 : vector<16xf32>
      %max3A_139 = arith.maximumf %max3A_138, %exp3A_115 : vector<16xf32>
      %max3A_140 = arith.maximumf %max3A_139, %exp3A_117 : vector<16xf32>
      %max3A_141 = arith.maximumf %max3A_140, %exp3A_119 : vector<16xf32>
      %max3A_142 = arith.maximumf %max3A_141, %exp3A_121 : vector<16xf32>
      %max3A_143 = arith.maximumf %max3A_142, %exp3A_123 : vector<16xf32>
      %max3A_144 = arith.maximumf %max3A_143, %exp3A_125 : vector<16xf32>
      %max3A_145 = arith.maximumf %max3A_144, %exp3A_127 : vector<16xf32>
      %max3A_146 = arith.maximumf %max3A_145, %exp3A_129 : vector<16xf32>
      %max3A_147 = arith.maximumf %max3A_146, %exp3A_131 : vector<16xf32>
      %max3A_148 = arith.maximumf %max3A_147, %exp3A_133 : vector<16xf32>
      %broadcast_in_dim3A = arith.constant 1.600000e+01 : f32
      %broadcast_in_dim3A_149 = vector.broadcast %broadcast_in_dim3A : f32 to vector<16xf32>
      %eq3A = arith.cmpf oeq, %exp3A_133, %max3A_148 : vector<16xf32>
      %jit3A = arith.constant 1.500000e+01 : f32
      %broadcast_in_dim3A_150 = vector.broadcast %jit3A : f32 to vector<16xf32>
      %select_n3A = arith.select %eq3A, %broadcast_in_dim3A_150, %broadcast_in_dim3A_149 : vector<16xi1>, vector<16xf32>
      %eq3A_151 = arith.cmpf oeq, %exp3A_131, %max3A_148 : vector<16xf32>
      %jit3A_152 = arith.constant 1.400000e+01 : f32
      %broadcast_in_dim3A_153 = vector.broadcast %jit3A_152 : f32 to vector<16xf32>
      %select_n3A_154 = arith.select %eq3A_151, %broadcast_in_dim3A_153, %select_n3A : vector<16xi1>, vector<16xf32>
      %eq3A_155 = arith.cmpf oeq, %exp3A_129, %max3A_148 : vector<16xf32>
      %jit3A_156 = arith.constant 1.300000e+01 : f32
      %broadcast_in_dim3A_157 = vector.broadcast %jit3A_156 : f32 to vector<16xf32>
      %select_n3A_158 = arith.select %eq3A_155, %broadcast_in_dim3A_157, %select_n3A_154 : vector<16xi1>, vector<16xf32>
      %eq3A_159 = arith.cmpf oeq, %exp3A_127, %max3A_148 : vector<16xf32>
      %jit3A_160 = arith.constant 1.200000e+01 : f32
      %broadcast_in_dim3A_161 = vector.broadcast %jit3A_160 : f32 to vector<16xf32>
      %select_n3A_162 = arith.select %eq3A_159, %broadcast_in_dim3A_161, %select_n3A_158 : vector<16xi1>, vector<16xf32>
      %eq3A_163 = arith.cmpf oeq, %exp3A_125, %max3A_148 : vector<16xf32>
      %jit3A_164 = arith.constant 1.100000e+01 : f32
      %broadcast_in_dim3A_165 = vector.broadcast %jit3A_164 : f32 to vector<16xf32>
      %select_n3A_166 = arith.select %eq3A_163, %broadcast_in_dim3A_165, %select_n3A_162 : vector<16xi1>, vector<16xf32>
      %eq3A_167 = arith.cmpf oeq, %exp3A_123, %max3A_148 : vector<16xf32>
      %jit3A_168 = arith.constant 1.000000e+01 : f32
      %broadcast_in_dim3A_169 = vector.broadcast %jit3A_168 : f32 to vector<16xf32>
      %select_n3A_170 = arith.select %eq3A_167, %broadcast_in_dim3A_169, %select_n3A_166 : vector<16xi1>, vector<16xf32>
      %eq3A_171 = arith.cmpf oeq, %exp3A_121, %max3A_148 : vector<16xf32>
      %jit3A_172 = arith.constant 9.000000e+00 : f32
      %broadcast_in_dim3A_173 = vector.broadcast %jit3A_172 : f32 to vector<16xf32>
      %select_n3A_174 = arith.select %eq3A_171, %broadcast_in_dim3A_173, %select_n3A_170 : vector<16xi1>, vector<16xf32>
      %eq3A_175 = arith.cmpf oeq, %exp3A_119, %max3A_148 : vector<16xf32>
      %jit3A_176 = arith.constant 8.000000e+00 : f32
      %broadcast_in_dim3A_177 = vector.broadcast %jit3A_176 : f32 to vector<16xf32>
      %select_n3A_178 = arith.select %eq3A_175, %broadcast_in_dim3A_177, %select_n3A_174 : vector<16xi1>, vector<16xf32>
      %eq3A_179 = arith.cmpf oeq, %exp3A_117, %max3A_148 : vector<16xf32>
      %jit3A_180 = arith.constant 7.000000e+00 : f32
      %broadcast_in_dim3A_181 = vector.broadcast %jit3A_180 : f32 to vector<16xf32>
      %select_n3A_182 = arith.select %eq3A_179, %broadcast_in_dim3A_181, %select_n3A_178 : vector<16xi1>, vector<16xf32>
      %eq3A_183 = arith.cmpf oeq, %exp3A_115, %max3A_148 : vector<16xf32>
      %jit3A_184 = arith.constant 6.000000e+00 : f32
      %broadcast_in_dim3A_185 = vector.broadcast %jit3A_184 : f32 to vector<16xf32>
      %select_n3A_186 = arith.select %eq3A_183, %broadcast_in_dim3A_185, %select_n3A_182 : vector<16xi1>, vector<16xf32>
      %eq3A_187 = arith.cmpf oeq, %exp3A_113, %max3A_148 : vector<16xf32>
      %jit3A_188 = arith.constant 5.000000e+00 : f32
      %broadcast_in_dim3A_189 = vector.broadcast %jit3A_188 : f32 to vector<16xf32>
      %select_n3A_190 = arith.select %eq3A_187, %broadcast_in_dim3A_189, %select_n3A_186 : vector<16xi1>, vector<16xf32>
      %eq3A_191 = arith.cmpf oeq, %exp3A_111, %max3A_148 : vector<16xf32>
      %jit3A_192 = arith.constant 4.000000e+00 : f32
      %broadcast_in_dim3A_193 = vector.broadcast %jit3A_192 : f32 to vector<16xf32>
      %select_n3A_194 = arith.select %eq3A_191, %broadcast_in_dim3A_193, %select_n3A_190 : vector<16xi1>, vector<16xf32>
      %eq3A_195 = arith.cmpf oeq, %exp3A_109, %max3A_148 : vector<16xf32>
      %jit3A_196 = arith.constant 3.000000e+00 : f32
      %broadcast_in_dim3A_197 = vector.broadcast %jit3A_196 : f32 to vector<16xf32>
      %select_n3A_198 = arith.select %eq3A_195, %broadcast_in_dim3A_197, %select_n3A_194 : vector<16xi1>, vector<16xf32>
      %eq3A_199 = arith.cmpf oeq, %exp3A_107, %max3A_148 : vector<16xf32>
      %jit3A_200 = arith.constant 2.000000e+00 : f32
      %broadcast_in_dim3A_201 = vector.broadcast %jit3A_200 : f32 to vector<16xf32>
      %select_n3A_202 = arith.select %eq3A_199, %broadcast_in_dim3A_201, %select_n3A_198 : vector<16xi1>, vector<16xf32>
      %eq3A_203 = arith.cmpf oeq, %exp3A_105, %max3A_148 : vector<16xf32>
      %jit3A_204 = arith.constant 1.000000e+00 : f32
      %broadcast_in_dim3A_205 = vector.broadcast %jit3A_204 : f32 to vector<16xf32>
      %select_n3A_206 = arith.select %eq3A_203, %broadcast_in_dim3A_205, %select_n3A_202 : vector<16xi1>, vector<16xf32>
      %eq3A_207 = arith.cmpf oeq, %exp3A, %max3A_148 : vector<16xf32>
      %jit3A_208 = arith.constant 0.000000e+00 : f32
      %broadcast_in_dim3A_209 = vector.broadcast %jit3A_208 : f32 to vector<16xf32>
      %select_n3A_210 = arith.select %eq3A_207, %broadcast_in_dim3A_209, %select_n3A_206 : vector<16xi1>, vector<16xf32>
      %broadcast_in_dim3A_211 = arith.constant 0xFF800000 : f32
      %broadcast_in_dim3A_212 = vector.broadcast %broadcast_in_dim3A_211 : f32 to vector<16xf32>
      %eq3A_213 = arith.constant 0.000000e+00 : f32
      %eq3A_214 = vector.broadcast %eq3A_213 : f32 to vector<16xf32>
      %eq3A_215 = arith.cmpf oeq, %select_n3A_210, %eq3A_214 : vector<16xf32>
      %select_n3A_216 = arith.select %eq3A_215, %broadcast_in_dim3A_212, %exp3A : vector<16xi1>, vector<16xf32>
      %max3A_217 = arith.maximumf %broadcast_in_dim3A_212, %select_n3A_216 : vector<16xf32>
      %eq3A_218 = arith.constant 1.000000e+00 : f32
      %eq3A_219 = vector.broadcast %eq3A_218 : f32 to vector<16xf32>
      %eq3A_220 = arith.cmpf oeq, %select_n3A_210, %eq3A_219 : vector<16xf32>
      %select_n3A_221 = arith.select %eq3A_220, %broadcast_in_dim3A_212, %exp3A_105 : vector<16xi1>, vector<16xf32>
      %max3A_222 = arith.maximumf %max3A_217, %select_n3A_221 : vector<16xf32>
      %eq3A_223 = arith.constant 2.000000e+00 : f32
      %eq3A_224 = vector.broadcast %eq3A_223 : f32 to vector<16xf32>
      %eq3A_225 = arith.cmpf oeq, %select_n3A_210, %eq3A_224 : vector<16xf32>
      %select_n3A_226 = arith.select %eq3A_225, %broadcast_in_dim3A_212, %exp3A_107 : vector<16xi1>, vector<16xf32>
      %max3A_227 = arith.maximumf %max3A_222, %select_n3A_226 : vector<16xf32>
      %eq3A_228 = arith.constant 3.000000e+00 : f32
      %eq3A_229 = vector.broadcast %eq3A_228 : f32 to vector<16xf32>
      %eq3A_230 = arith.cmpf oeq, %select_n3A_210, %eq3A_229 : vector<16xf32>
      %select_n3A_231 = arith.select %eq3A_230, %broadcast_in_dim3A_212, %exp3A_109 : vector<16xi1>, vector<16xf32>
      %max3A_232 = arith.maximumf %max3A_227, %select_n3A_231 : vector<16xf32>
      %eq3A_233 = arith.constant 4.000000e+00 : f32
      %eq3A_234 = vector.broadcast %eq3A_233 : f32 to vector<16xf32>
      %eq3A_235 = arith.cmpf oeq, %select_n3A_210, %eq3A_234 : vector<16xf32>
      %select_n3A_236 = arith.select %eq3A_235, %broadcast_in_dim3A_212, %exp3A_111 : vector<16xi1>, vector<16xf32>
      %max3A_237 = arith.maximumf %max3A_232, %select_n3A_236 : vector<16xf32>
      %eq3A_238 = arith.constant 5.000000e+00 : f32
      %eq3A_239 = vector.broadcast %eq3A_238 : f32 to vector<16xf32>
      %eq3A_240 = arith.cmpf oeq, %select_n3A_210, %eq3A_239 : vector<16xf32>
      %select_n3A_241 = arith.select %eq3A_240, %broadcast_in_dim3A_212, %exp3A_113 : vector<16xi1>, vector<16xf32>
      %max3A_242 = arith.maximumf %max3A_237, %select_n3A_241 : vector<16xf32>
      %eq3A_243 = arith.constant 6.000000e+00 : f32
      %eq3A_244 = vector.broadcast %eq3A_243 : f32 to vector<16xf32>
      %eq3A_245 = arith.cmpf oeq, %select_n3A_210, %eq3A_244 : vector<16xf32>
      %select_n3A_246 = arith.select %eq3A_245, %broadcast_in_dim3A_212, %exp3A_115 : vector<16xi1>, vector<16xf32>
      %max3A_247 = arith.maximumf %max3A_242, %select_n3A_246 : vector<16xf32>
      %eq3A_248 = arith.constant 7.000000e+00 : f32
      %eq3A_249 = vector.broadcast %eq3A_248 : f32 to vector<16xf32>
      %eq3A_250 = arith.cmpf oeq, %select_n3A_210, %eq3A_249 : vector<16xf32>
      %select_n3A_251 = arith.select %eq3A_250, %broadcast_in_dim3A_212, %exp3A_117 : vector<16xi1>, vector<16xf32>
      %max3A_252 = arith.maximumf %max3A_247, %select_n3A_251 : vector<16xf32>
      %eq3A_253 = arith.constant 8.000000e+00 : f32
      %eq3A_254 = vector.broadcast %eq3A_253 : f32 to vector<16xf32>
      %eq3A_255 = arith.cmpf oeq, %select_n3A_210, %eq3A_254 : vector<16xf32>
      %select_n3A_256 = arith.select %eq3A_255, %broadcast_in_dim3A_212, %exp3A_119 : vector<16xi1>, vector<16xf32>
      %max3A_257 = arith.maximumf %max3A_252, %select_n3A_256 : vector<16xf32>
      %eq3A_258 = arith.constant 9.000000e+00 : f32
      %eq3A_259 = vector.broadcast %eq3A_258 : f32 to vector<16xf32>
      %eq3A_260 = arith.cmpf oeq, %select_n3A_210, %eq3A_259 : vector<16xf32>
      %select_n3A_261 = arith.select %eq3A_260, %broadcast_in_dim3A_212, %exp3A_121 : vector<16xi1>, vector<16xf32>
      %max3A_262 = arith.maximumf %max3A_257, %select_n3A_261 : vector<16xf32>
      %eq3A_263 = arith.constant 1.000000e+01 : f32
      %eq3A_264 = vector.broadcast %eq3A_263 : f32 to vector<16xf32>
      %eq3A_265 = arith.cmpf oeq, %select_n3A_210, %eq3A_264 : vector<16xf32>
      %select_n3A_266 = arith.select %eq3A_265, %broadcast_in_dim3A_212, %exp3A_123 : vector<16xi1>, vector<16xf32>
      %max3A_267 = arith.maximumf %max3A_262, %select_n3A_266 : vector<16xf32>
      %eq3A_268 = arith.constant 1.100000e+01 : f32
      %eq3A_269 = vector.broadcast %eq3A_268 : f32 to vector<16xf32>
      %eq3A_270 = arith.cmpf oeq, %select_n3A_210, %eq3A_269 : vector<16xf32>
      %select_n3A_271 = arith.select %eq3A_270, %broadcast_in_dim3A_212, %exp3A_125 : vector<16xi1>, vector<16xf32>
      %max3A_272 = arith.maximumf %max3A_267, %select_n3A_271 : vector<16xf32>
      %eq3A_273 = arith.constant 1.200000e+01 : f32
      %eq3A_274 = vector.broadcast %eq3A_273 : f32 to vector<16xf32>
      %eq3A_275 = arith.cmpf oeq, %select_n3A_210, %eq3A_274 : vector<16xf32>
      %select_n3A_276 = arith.select %eq3A_275, %broadcast_in_dim3A_212, %exp3A_127 : vector<16xi1>, vector<16xf32>
      %max3A_277 = arith.maximumf %max3A_272, %select_n3A_276 : vector<16xf32>
      %eq3A_278 = arith.constant 1.300000e+01 : f32
      %eq3A_279 = vector.broadcast %eq3A_278 : f32 to vector<16xf32>
      %eq3A_280 = arith.cmpf oeq, %select_n3A_210, %eq3A_279 : vector<16xf32>
      %select_n3A_281 = arith.select %eq3A_280, %broadcast_in_dim3A_212, %exp3A_129 : vector<16xi1>, vector<16xf32>
      %max3A_282 = arith.maximumf %max3A_277, %select_n3A_281 : vector<16xf32>
      %eq3A_283 = arith.constant 1.400000e+01 : f32
      %eq3A_284 = vector.broadcast %eq3A_283 : f32 to vector<16xf32>
      %eq3A_285 = arith.cmpf oeq, %select_n3A_210, %eq3A_284 : vector<16xf32>
      %select_n3A_286 = arith.select %eq3A_285, %broadcast_in_dim3A_212, %exp3A_131 : vector<16xi1>, vector<16xf32>
      %max3A_287 = arith.maximumf %max3A_282, %select_n3A_286 : vector<16xf32>
      %eq3A_288 = arith.constant 1.500000e+01 : f32
      %eq3A_289 = vector.broadcast %eq3A_288 : f32 to vector<16xf32>
      %eq3A_290 = arith.cmpf oeq, %select_n3A_210, %eq3A_289 : vector<16xf32>
      %select_n3A_291 = arith.select %eq3A_290, %broadcast_in_dim3A_212, %exp3A_133 : vector<16xi1>, vector<16xf32>
      %max3A_292 = arith.maximumf %max3A_287, %select_n3A_291 : vector<16xf32>
      %broadcast_in_dim3A_293 = arith.constant 1.600000e+01 : f32
      %broadcast_in_dim3A_294 = vector.broadcast %broadcast_in_dim3A_293 : f32 to vector<16xf32>
      %eq3A_295 = arith.cmpf oeq, %exp3A_133, %max3A_292 : vector<16xf32>
      %ne3A = arith.constant 1.500000e+01 : f32
      %ne3A_296 = vector.broadcast %ne3A : f32 to vector<16xf32>
      %ne3A_297 = arith.cmpf one, %select_n3A_210, %ne3A_296 : vector<16xf32>
      %and3A = arith.andi %eq3A_295, %ne3A_297 : vector<16xi1>
      %jit3A_298 = arith.constant 1.500000e+01 : f32
      %broadcast_in_dim3A_299 = vector.broadcast %jit3A_298 : f32 to vector<16xf32>
      %select_n3A_300 = arith.select %and3A, %broadcast_in_dim3A_299, %broadcast_in_dim3A_294 : vector<16xi1>, vector<16xf32>
      %eq3A_301 = arith.cmpf oeq, %exp3A_131, %max3A_292 : vector<16xf32>
      %ne3A_302 = arith.constant 1.400000e+01 : f32
      %ne3A_303 = vector.broadcast %ne3A_302 : f32 to vector<16xf32>
      %ne3A_304 = arith.cmpf one, %select_n3A_210, %ne3A_303 : vector<16xf32>
      %and3A_305 = arith.andi %eq3A_301, %ne3A_304 : vector<16xi1>
      %jit3A_306 = arith.constant 1.400000e+01 : f32
      %broadcast_in_dim3A_307 = vector.broadcast %jit3A_306 : f32 to vector<16xf32>
      %select_n3A_308 = arith.select %and3A_305, %broadcast_in_dim3A_307, %select_n3A_300 : vector<16xi1>, vector<16xf32>
      %eq3A_309 = arith.cmpf oeq, %exp3A_129, %max3A_292 : vector<16xf32>
      %ne3A_310 = arith.constant 1.300000e+01 : f32
      %ne3A_311 = vector.broadcast %ne3A_310 : f32 to vector<16xf32>
      %ne3A_312 = arith.cmpf one, %select_n3A_210, %ne3A_311 : vector<16xf32>
      %and3A_313 = arith.andi %eq3A_309, %ne3A_312 : vector<16xi1>
      %jit3A_314 = arith.constant 1.300000e+01 : f32
      %broadcast_in_dim3A_315 = vector.broadcast %jit3A_314 : f32 to vector<16xf32>
      %select_n3A_316 = arith.select %and3A_313, %broadcast_in_dim3A_315, %select_n3A_308 : vector<16xi1>, vector<16xf32>
      %eq3A_317 = arith.cmpf oeq, %exp3A_127, %max3A_292 : vector<16xf32>
      %ne3A_318 = arith.constant 1.200000e+01 : f32
      %ne3A_319 = vector.broadcast %ne3A_318 : f32 to vector<16xf32>
      %ne3A_320 = arith.cmpf one, %select_n3A_210, %ne3A_319 : vector<16xf32>
      %and3A_321 = arith.andi %eq3A_317, %ne3A_320 : vector<16xi1>
      %jit3A_322 = arith.constant 1.200000e+01 : f32
      %broadcast_in_dim3A_323 = vector.broadcast %jit3A_322 : f32 to vector<16xf32>
      %select_n3A_324 = arith.select %and3A_321, %broadcast_in_dim3A_323, %select_n3A_316 : vector<16xi1>, vector<16xf32>
      %eq3A_325 = arith.cmpf oeq, %exp3A_125, %max3A_292 : vector<16xf32>
      %ne3A_326 = arith.constant 1.100000e+01 : f32
      %ne3A_327 = vector.broadcast %ne3A_326 : f32 to vector<16xf32>
      %ne3A_328 = arith.cmpf one, %select_n3A_210, %ne3A_327 : vector<16xf32>
      %and3A_329 = arith.andi %eq3A_325, %ne3A_328 : vector<16xi1>
      %jit3A_330 = arith.constant 1.100000e+01 : f32
      %broadcast_in_dim3A_331 = vector.broadcast %jit3A_330 : f32 to vector<16xf32>
      %select_n3A_332 = arith.select %and3A_329, %broadcast_in_dim3A_331, %select_n3A_324 : vector<16xi1>, vector<16xf32>
      %eq3A_333 = arith.cmpf oeq, %exp3A_123, %max3A_292 : vector<16xf32>
      %ne3A_334 = arith.constant 1.000000e+01 : f32
      %ne3A_335 = vector.broadcast %ne3A_334 : f32 to vector<16xf32>
      %ne3A_336 = arith.cmpf one, %select_n3A_210, %ne3A_335 : vector<16xf32>
      %and3A_337 = arith.andi %eq3A_333, %ne3A_336 : vector<16xi1>
      %jit3A_338 = arith.constant 1.000000e+01 : f32
      %broadcast_in_dim3A_339 = vector.broadcast %jit3A_338 : f32 to vector<16xf32>
      %select_n3A_340 = arith.select %and3A_337, %broadcast_in_dim3A_339, %select_n3A_332 : vector<16xi1>, vector<16xf32>
      %eq3A_341 = arith.cmpf oeq, %exp3A_121, %max3A_292 : vector<16xf32>
      %ne3A_342 = arith.constant 9.000000e+00 : f32
      %ne3A_343 = vector.broadcast %ne3A_342 : f32 to vector<16xf32>
      %ne3A_344 = arith.cmpf one, %select_n3A_210, %ne3A_343 : vector<16xf32>
      %and3A_345 = arith.andi %eq3A_341, %ne3A_344 : vector<16xi1>
      %jit3A_346 = arith.constant 9.000000e+00 : f32
      %broadcast_in_dim3A_347 = vector.broadcast %jit3A_346 : f32 to vector<16xf32>
      %select_n3A_348 = arith.select %and3A_345, %broadcast_in_dim3A_347, %select_n3A_340 : vector<16xi1>, vector<16xf32>
      %eq3A_349 = arith.cmpf oeq, %exp3A_119, %max3A_292 : vector<16xf32>
      %ne3A_350 = arith.constant 8.000000e+00 : f32
      %ne3A_351 = vector.broadcast %ne3A_350 : f32 to vector<16xf32>
      %ne3A_352 = arith.cmpf one, %select_n3A_210, %ne3A_351 : vector<16xf32>
      %and3A_353 = arith.andi %eq3A_349, %ne3A_352 : vector<16xi1>
      %jit3A_354 = arith.constant 8.000000e+00 : f32
      %broadcast_in_dim3A_355 = vector.broadcast %jit3A_354 : f32 to vector<16xf32>
      %select_n3A_356 = arith.select %and3A_353, %broadcast_in_dim3A_355, %select_n3A_348 : vector<16xi1>, vector<16xf32>
      %eq3A_357 = arith.cmpf oeq, %exp3A_117, %max3A_292 : vector<16xf32>
      %ne3A_358 = arith.constant 7.000000e+00 : f32
      %ne3A_359 = vector.broadcast %ne3A_358 : f32 to vector<16xf32>
      %ne3A_360 = arith.cmpf one, %select_n3A_210, %ne3A_359 : vector<16xf32>
      %and3A_361 = arith.andi %eq3A_357, %ne3A_360 : vector<16xi1>
      %jit3A_362 = arith.constant 7.000000e+00 : f32
      %broadcast_in_dim3A_363 = vector.broadcast %jit3A_362 : f32 to vector<16xf32>
      %select_n3A_364 = arith.select %and3A_361, %broadcast_in_dim3A_363, %select_n3A_356 : vector<16xi1>, vector<16xf32>
      %eq3A_365 = arith.cmpf oeq, %exp3A_115, %max3A_292 : vector<16xf32>
      %ne3A_366 = arith.constant 6.000000e+00 : f32
      %ne3A_367 = vector.broadcast %ne3A_366 : f32 to vector<16xf32>
      %ne3A_368 = arith.cmpf one, %select_n3A_210, %ne3A_367 : vector<16xf32>
      %and3A_369 = arith.andi %eq3A_365, %ne3A_368 : vector<16xi1>
      %jit3A_370 = arith.constant 6.000000e+00 : f32
      %broadcast_in_dim3A_371 = vector.broadcast %jit3A_370 : f32 to vector<16xf32>
      %select_n3A_372 = arith.select %and3A_369, %broadcast_in_dim3A_371, %select_n3A_364 : vector<16xi1>, vector<16xf32>
      %eq3A_373 = arith.cmpf oeq, %exp3A_113, %max3A_292 : vector<16xf32>
      %ne3A_374 = arith.constant 5.000000e+00 : f32
      %ne3A_375 = vector.broadcast %ne3A_374 : f32 to vector<16xf32>
      %ne3A_376 = arith.cmpf one, %select_n3A_210, %ne3A_375 : vector<16xf32>
      %and3A_377 = arith.andi %eq3A_373, %ne3A_376 : vector<16xi1>
      %jit3A_378 = arith.constant 5.000000e+00 : f32
      %broadcast_in_dim3A_379 = vector.broadcast %jit3A_378 : f32 to vector<16xf32>
      %select_n3A_380 = arith.select %and3A_377, %broadcast_in_dim3A_379, %select_n3A_372 : vector<16xi1>, vector<16xf32>
      %eq3A_381 = arith.cmpf oeq, %exp3A_111, %max3A_292 : vector<16xf32>
      %ne3A_382 = arith.constant 4.000000e+00 : f32
      %ne3A_383 = vector.broadcast %ne3A_382 : f32 to vector<16xf32>
      %ne3A_384 = arith.cmpf one, %select_n3A_210, %ne3A_383 : vector<16xf32>
      %and3A_385 = arith.andi %eq3A_381, %ne3A_384 : vector<16xi1>
      %jit3A_386 = arith.constant 4.000000e+00 : f32
      %broadcast_in_dim3A_387 = vector.broadcast %jit3A_386 : f32 to vector<16xf32>
      %select_n3A_388 = arith.select %and3A_385, %broadcast_in_dim3A_387, %select_n3A_380 : vector<16xi1>, vector<16xf32>
      %eq3A_389 = arith.cmpf oeq, %exp3A_109, %max3A_292 : vector<16xf32>
      %ne3A_390 = arith.constant 3.000000e+00 : f32
      %ne3A_391 = vector.broadcast %ne3A_390 : f32 to vector<16xf32>
      %ne3A_392 = arith.cmpf one, %select_n3A_210, %ne3A_391 : vector<16xf32>
      %and3A_393 = arith.andi %eq3A_389, %ne3A_392 : vector<16xi1>
      %jit3A_394 = arith.constant 3.000000e+00 : f32
      %broadcast_in_dim3A_395 = vector.broadcast %jit3A_394 : f32 to vector<16xf32>
      %select_n3A_396 = arith.select %and3A_393, %broadcast_in_dim3A_395, %select_n3A_388 : vector<16xi1>, vector<16xf32>
      %eq3A_397 = arith.cmpf oeq, %exp3A_107, %max3A_292 : vector<16xf32>
      %ne3A_398 = arith.constant 2.000000e+00 : f32
      %ne3A_399 = vector.broadcast %ne3A_398 : f32 to vector<16xf32>
      %ne3A_400 = arith.cmpf one, %select_n3A_210, %ne3A_399 : vector<16xf32>
      %and3A_401 = arith.andi %eq3A_397, %ne3A_400 : vector<16xi1>
      %jit3A_402 = arith.constant 2.000000e+00 : f32
      %broadcast_in_dim3A_403 = vector.broadcast %jit3A_402 : f32 to vector<16xf32>
      %select_n3A_404 = arith.select %and3A_401, %broadcast_in_dim3A_403, %select_n3A_396 : vector<16xi1>, vector<16xf32>
      %eq3A_405 = arith.cmpf oeq, %exp3A_105, %max3A_292 : vector<16xf32>
      %ne3A_406 = arith.constant 1.000000e+00 : f32
      %ne3A_407 = vector.broadcast %ne3A_406 : f32 to vector<16xf32>
      %ne3A_408 = arith.cmpf one, %select_n3A_210, %ne3A_407 : vector<16xf32>
      %and3A_409 = arith.andi %eq3A_405, %ne3A_408 : vector<16xi1>
      %jit3A_410 = arith.constant 1.000000e+00 : f32
      %broadcast_in_dim3A_411 = vector.broadcast %jit3A_410 : f32 to vector<16xf32>
      %select_n3A_412 = arith.select %and3A_409, %broadcast_in_dim3A_411, %select_n3A_404 : vector<16xi1>, vector<16xf32>
      %eq3A_413 = arith.cmpf oeq, %exp3A, %max3A_292 : vector<16xf32>
      %ne3A_414 = arith.constant 0.000000e+00 : f32
      %ne3A_415 = vector.broadcast %ne3A_414 : f32 to vector<16xf32>
      %ne3A_416 = arith.cmpf one, %select_n3A_210, %ne3A_415 : vector<16xf32>
      %and3A_417 = arith.andi %eq3A_413, %ne3A_416 : vector<16xi1>
      %jit3A_418 = arith.constant 0.000000e+00 : f32
      %broadcast_in_dim3A_419 = vector.broadcast %jit3A_418 : f32 to vector<16xf32>
      %select_n3A_420 = arith.select %and3A_417, %broadcast_in_dim3A_419, %select_n3A_412 : vector<16xi1>, vector<16xf32>
      %add3A_421 = arith.addf %max3A_148, %max3A_292 : vector<16xf32>
      %div3A = arith.divf %max3A_148, %add3A_421 : vector<16xf32>
      %swap3A = arith.constant 0 : i32
      %swap3A_422 = arith.index_cast %swap3A : i32 to index
      %swap3A_423 = arith.index_cast %mul3A_10 : i32 to index
      %swap3A_424 = tpu.vector_load %arg6[%swap3A_422, %swap3A_423] {strides = array<i32>} : memref<2x512xf32, #tpu.memory_space<vmem>>, vector<1x16xf32>,
      %swap3A_425 = vector.shape_cast %swap3A_424 : vector<1x16xf32> to vector<16xf32>
      %swap3A_426 = vector.shape_cast %div3A : vector<16xf32> to vector<1x16xf32>
      tpu.vector_store %arg6[%swap3A_422, %swap3A_423], %swap3A_426 {strides = array<i32>} : memref<2x512xf32, #tpu.memory_space<vmem>>, vector<1x16xf32>,
      %div3A_427 = arith.divf %max3A_292, %add3A_421 : vector<16xf32>
      %swap3A_428 = arith.constant 1 : i32
      %swap3A_429 = arith.index_cast %swap3A_428 : i32 to index
      %swap3A_430 = arith.index_cast %mul3A_10 : i32 to index
      %swap3A_431 = tpu.vector_load %arg6[%swap3A_429, %swap3A_430] {strides = array<i32>} : memref<2x512xf32, #tpu.memory_space<vmem>>, vector<1x16xf32>,
      %swap3A_432 = vector.shape_cast %swap3A_431 : vector<1x16xf32> to vector<16xf32>
      %swap3A_433 = vector.shape_cast %div3A_427 : vector<16xf32> to vector<1x16xf32>
      tpu.vector_store %arg6[%swap3A_429, %swap3A_430], %swap3A_433 {strides = array<i32>} : memref<2x512xf32, #tpu.memory_space<vmem>>, vector<1x16xf32>,
      %convert_element_type3A = arith.fptosi %select_n3A_210 : vector<16xf32> to vector<16xi32>
      %swap3A_434 = arith.constant 0 : i32
      %swap3A_435 = arith.index_cast %swap3A_434 : i32 to index
      %swap3A_436 = arith.index_cast %mul3A_10 : i32 to index
      %swap3A_437 = tpu.vector_load %arg7[%swap3A_435, %swap3A_436] {strides = array<i32>} : memref<2x512xi32, #tpu.memory_space<vmem>>, vector<1x16xi32>,
      %swap3A_438 = vector.shape_cast %swap3A_437 : vector<1x16xi32> to vector<16xi32>
      %swap3A_439 = vector.shape_cast %convert_element_type3A : vector<16xi32> to vector<1x16xi32>
      tpu.vector_store %arg7[%swap3A_435, %swap3A_436], %swap3A_439 {strides = array<i32>} : memref<2x512xi32, #tpu.memory_space<vmem>>, vector<1x16xi32>,
      %convert_element_type3A_440 = arith.fptosi %select_n3A_420 : vector<16xf32> to vector<16xi32>
      %swap3A_441 = arith.constant 1 : i32
      %swap3A_442 = arith.index_cast %swap3A_441 : i32 to index
      %swap3A_443 = arith.index_cast %mul3A_10 : i32 to index
      %swap3A_444 = tpu.vector_load %arg7[%swap3A_442, %swap3A_443] {strides = array<i32>} : memref<2x512xi32, #tpu.memory_space<vmem>>, vector<1x16xi32>,
      %swap3A_445 = vector.shape_cast %swap3A_444 : vector<1x16xi32> to vector<16xi32>
      %swap3A_446 = vector.shape_cast %convert_element_type3A_440 : vector<16xi32> to vector<1x16xi32>
      tpu.vector_store %arg7[%swap3A_442, %swap3A_443], %swap3A_446 {strides = array<i32>} : memref<2x512xi32, #tpu.memory_space<vmem>>, vector<1x16xi32>,
    }
    %scan3A_7 = arith.constant 32 : i32
    "tpu.region"() ({
      %run_scoped3A = tpu.sem_alloc : memref<!tpu.dma_semaphore, #tpu.memory_space<semaphore_mem>>
      %dma_start3A = arith.constant 0 : i32
      %dma_start3A_8 = tpu.memref_slice %arg3[%dma_start3A, %mul3A_2] : memref<2x16384xf32, #tpu.memory_space<hbm>> -> memref<2x512xf32, #tpu.memory_space<hbm>>
      %dma_start3A_9 = arith.constant 0 : i32
      %dma_start3A_10 = tpu.memref_slice %arg3[%dma_start3A_9, %mul3A_2] : memref<2x16384xf32, #tpu.memory_space<hbm>> -> memref<2x512xf32, #tpu.memory_space<hbm>>
      tpu.enqueue_dma source(%arg6 : memref<2x512xf32, #tpu.memory_space<vmem>>) target(%dma_start3A_10 : memref<2x512xf32, #tpu.memory_space<hbm>>) target_semaphore(%run_scoped3A : memref<!tpu.dma_semaphore, #tpu.memory_space<semaphore_mem>>)
      %dma_wait3A = arith.constant 0 : i32
      %dma_wait3A_11 = tpu.memref_slice %arg3[%dma_wait3A, %mul3A_2] : memref<2x16384xf32, #tpu.memory_space<hbm>> -> memref<2x512xf32, #tpu.memory_space<hbm>>
      %dma_wait3A_12 = arith.constant 0 : i32
      %dma_wait3A_13 = tpu.memref_slice %arg3[%dma_wait3A_12, %mul3A_2] : memref<2x16384xf32, #tpu.memory_space<hbm>> -> memref<2x512xf32, #tpu.memory_space<hbm>>
      tpu.wait_dma2 semaphore(%run_scoped3A : memref<!tpu.dma_semaphore, #tpu.memory_space<semaphore_mem>>) src(%arg6 : memref<2x512xf32, #tpu.memory_space<vmem>>) dst(%dma_wait3A_13 : memref<2x512xf32, #tpu.memory_space<hbm>>)
      tpu.yield
    }) : () -> ()
    "tpu.region"() ({
      %run_scoped3A = tpu.sem_alloc : memref<!tpu.dma_semaphore, #tpu.memory_space<semaphore_mem>>
      %dma_start3A = arith.constant 0 : i32
      %dma_start3A_8 = tpu.memref_slice %arg4[%dma_start3A, %mul3A_2] : memref<2x16384xi32, #tpu.memory_space<hbm>> -> memref<2x512xi32, #tpu.memory_space<hbm>>
      %dma_start3A_9 = arith.constant 0 : i32
      %dma_start3A_10 = tpu.memref_slice %arg4[%dma_start3A_9, %mul3A_2] : memref<2x16384xi32, #tpu.memory_space<hbm>> -> memref<2x512xi32, #tpu.memory_space<hbm>>
      tpu.enqueue_dma source(%arg7 : memref<2x512xi32, #tpu.memory_space<vmem>>) target(%dma_start3A_10 : memref<2x512xi32, #tpu.memory_space<hbm>>) target_semaphore(%run_scoped3A : memref<!tpu.dma_semaphore, #tpu.memory_space<semaphore_mem>>)
      %dma_wait3A = arith.constant 0 : i32
      %dma_wait3A_11 = tpu.memref_slice %arg4[%dma_wait3A, %mul3A_2] : memref<2x16384xi32, #tpu.memory_space<hbm>> -> memref<2x512xi32, #tpu.memory_space<hbm>>
      %dma_wait3A_12 = arith.constant 0 : i32
      %dma_wait3A_13 = tpu.memref_slice %arg4[%dma_wait3A_12, %mul3A_2] : memref<2x16384xi32, #tpu.memory_space<hbm>> -> memref<2x512xi32, #tpu.memory_space<hbm>>
      tpu.wait_dma2 semaphore(%run_scoped3A : memref<!tpu.dma_semaphore, #tpu.memory_space<semaphore_mem>>) src(%arg7 : memref<2x512xi32, #tpu.memory_space<vmem>>) dst(%dma_wait3A_13 : memref<2x512xi32, #tpu.memory_space<hbm>>)
      tpu.yield
    }) : () -> ()
    return
  }
}

module attributes {stable_mosaic.version = 14 : i64} {
  func.func @_tc_body(%arg0: i32, %arg1: memref<1024x2048xf32, #tpu.memory_space<vmem>>, %arg2: memref<16x2048xf32, #tpu.memory_space<vmem>>, %arg3: memref<16x16384xf32, #tpu.memory_space<vmem>>, %arg4: memref<1x1xf32, #tpu.memory_space<smem>>, %arg5: memref<16x1xf32, #tpu.memory_space<vmem>>) attributes {dimension_semantics = [#tpu.dimension_semantics<arbitrary>], iteration_bounds = array<i64: 16>, scalar_prefetch = 0 : i64, scratch_operands = 1 : i64, tpu.core_type = #tpu.core_type<tc>, window_params = [{transform_indices = @transform_0, window_bounds = array<i64: 1024, 2048>}, {pipeline_mode = #tpu.pipeline_mode<synchronous>, transform_indices = @transform_1, window_bounds = array<i64: 16, 2048>}, {pipeline_mode = #tpu.pipeline_mode<synchronous>, transform_indices = @transform_2, window_bounds = array<i64: 16, 16384>}, {transform_indices = @transform_3, window_bounds = array<i64: 1, 1>}]} {
    %eq3A = arith.constant 0 : i32
    %eq3A_0 = arith.cmpi eq, %arg0, %eq3A : i32
    %convert_element_type3A = arith.extui %eq3A_0 : i1 to i32
    %cond3A = arith.constant 0 : i32
    %cond3A_1 = arith.cmpi ne, %convert_element_type3A, %cond3A : i32
    scf.if %cond3A_1 {
      %broadcast_in_dim3A_30 = arith.constant 0.000000e+00 : f32
      %broadcast_in_dim3A_31 = vector.broadcast %broadcast_in_dim3A_30 : f32 to vector<16x1xf32>
      %swap3A_32 = arith.constant 0 : index
      %swap3A_33 = arith.constant 0 : index
      %swap3A_34 = vector.load %arg5[%swap3A_32, %swap3A_33] : memref<16x1xf32, #tpu.memory_space<vmem>>, vector<16x1xf32>
      tpu.vector_store %arg5[%swap3A_32, %swap3A_33], %broadcast_in_dim3A_31 {strides = array<i32>} : memref<16x1xf32, #tpu.memory_space<vmem>>, vector<16x1xf32>,
    } else {
    }
    %get3A = arith.constant 0 : index
    %get3A_2 = arith.constant 0 : index
    %get3A_3 = vector.load %arg2[%get3A, %get3A_2] : memref<16x2048xf32, #tpu.memory_space<vmem>>, vector<16x2048xf32>
    %get3A_4 = arith.constant 0 : index
    %get3A_5 = arith.constant 0 : index
    %get3A_6 = vector.load %arg1[%get3A_4, %get3A_5] : memref<1024x2048xf32, #tpu.memory_space<vmem>>, vector<1024x2048xf32>
    %dot_general3A = arith.constant dense<0.000000e+00> : vector<1024x16xf32>
    %dot_general3A_7 = tpu.matmul %get3A_6, %get3A_3, %dot_general3A {dimension_numbers = #tpu.dot_dimension_numbers<[1], [1], [0], [0], [0, 0, 1, 0], [], []>, transpose_lhs_hint = false} : vector<1024x2048xf32>, vector<16x2048xf32>, vector<1024x16xf32> -> vector<1024x16xf32>
    %transpose3A = tpu.transpose %dot_general3A_7, [1, 0] : vector<1024x16xf32> -> vector<16x1024xf32>
    %mul3A = arith.constant 1024 : i32
    %mul3A_8 = arith.muli %arg0, %mul3A : i32
    %swap3A = arith.constant 0 : index
    %swap3A_9 = arith.index_cast %mul3A_8 : i32 to index
    %swap3A_10 = vector.load %arg3[%swap3A, %swap3A_9] : memref<16x16384xf32, #tpu.memory_space<vmem>>, vector<16x1024xf32>
    tpu.vector_store %arg3[%swap3A, %swap3A_9], %transpose3A {strides = array<i32>} : memref<16x16384xf32, #tpu.memory_space<vmem>>, vector<16x1024xf32>,
    %reduce_max3A = arith.constant dense<0xFF800000> : vector<1024xf32>
    %reduce_max3A_11 = vector.multi_reduction <maximumf>, %transpose3A, %reduce_max3A [0] : vector<16x1024xf32> to vector<1024xf32>
    %broadcast_in_dim3A = vector.shape_cast %reduce_max3A_11 : vector<1024xf32> to vector<1x1024xf32>
    %sub3A = vector.broadcast %broadcast_in_dim3A : vector<1x1024xf32> to vector<16x1024xf32>
    %sub3A_12 = arith.subf %transpose3A, %sub3A : vector<16x1024xf32>
    %exp3A = math.exp %sub3A_12 : vector<16x1024xf32>
    %reduce_sum3A = arith.constant dense<0.000000e+00> : vector<1024xf32>
    %reduce_sum3A_13 = vector.multi_reduction <add>, %exp3A, %reduce_sum3A [0] : vector<16x1024xf32> to vector<1024xf32>
    %broadcast_in_dim3A_14 = vector.shape_cast %reduce_sum3A_13 : vector<1024xf32> to vector<1x1024xf32>
    %get3A_15 = arith.constant 0 : index
    %get3A_16 = arith.constant 0 : index
    %get3A_17 = vector.load %arg5[%get3A_15, %get3A_16] : memref<16x1xf32, #tpu.memory_space<vmem>>, vector<16x1xf32>
    %div3A = vector.broadcast %broadcast_in_dim3A_14 : vector<1x1024xf32> to vector<16x1024xf32>
    %div3A_18 = arith.divf %exp3A, %div3A : vector<16x1024xf32>
    %reduce_sum3A_19 = arith.constant dense<0.000000e+00> : vector<16xf32>
    %reduce_sum3A_20 = vector.multi_reduction <add>, %div3A_18, %reduce_sum3A_19 [1] : vector<16x1024xf32> to vector<16xf32>
    %broadcast_in_dim3A_21 = vector.shape_cast %reduce_sum3A_20 : vector<16xf32> to vector<16x1xf32>
    %add3A = arith.addf %get3A_17, %broadcast_in_dim3A_21 : vector<16x1xf32>
    %swap3A_22 = arith.constant 0 : index
    %swap3A_23 = arith.constant 0 : index
    %swap3A_24 = vector.load %arg5[%swap3A_22, %swap3A_23] : memref<16x1xf32, #tpu.memory_space<vmem>>, vector<16x1xf32>
    tpu.vector_store %arg5[%swap3A_22, %swap3A_23], %add3A {strides = array<i32>} : memref<16x1xf32, #tpu.memory_space<vmem>>, vector<16x1xf32>,
    %eq3A_25 = arith.constant 15 : i32
    %eq3A_26 = arith.cmpi eq, %arg0, %eq3A_25 : i32
    %convert_element_type3A_27 = arith.extui %eq3A_26 : i1 to i32
    %cond3A_28 = arith.constant 0 : i32
    %cond3A_29 = arith.cmpi ne, %convert_element_type3A_27, %cond3A_28 : i32
    scf.if %cond3A_29 {
      %get3A_30 = arith.constant 0 : index
      %get3A_31 = arith.constant 0 : index
      %get3A_32 = vector.load %arg5[%get3A_30, %get3A_31] : memref<16x1xf32, #tpu.memory_space<vmem>>, vector<16x1xf32>
      %div3A_33 = arith.constant 1.638400e+04 : f32
      %div3A_34 = vector.broadcast %div3A_33 : f32 to vector<16x1xf32>
      %div3A_35 = arith.divf %get3A_32, %div3A_34 : vector<16x1xf32>
      %add3A_36 = arith.constant 9.99999993E-9 : f32
      %add3A_37 = vector.broadcast %add3A_36 : f32 to vector<16x1xf32>
      %add3A_38 = arith.addf %div3A_35, %add3A_37 : vector<16x1xf32>
      %log3A = math.log %add3A_38 : vector<16x1xf32>
      %mul3A_39 = arith.mulf %div3A_35, %log3A : vector<16x1xf32>
      %reduce_sum3A_40 = vector.shape_cast %mul3A_39 : vector<16x1xf32> to vector<1x16x1xf32>
      %reduce_sum3A_41 = arith.constant dense<0.000000e+00> : vector<1xf32>
      %reduce_sum3A_42 = vector.multi_reduction <add>, %reduce_sum3A_40, %reduce_sum3A_41 [1, 2] : vector<1x16x1xf32> to vector<1xf32>
      %reduce_sum3A_43 = vector.shape_cast %reduce_sum3A_42 : vector<1xf32> to vector<1x1x1xf32>
      %reduce_sum3A_44 = vector.extract %reduce_sum3A_43[0, 0, 0] : f32 from vector<1x1x1xf32>
      %swap3A_45 = arith.constant 0 : index
      %swap3A_46 = arith.constant 0 : index
      %swap3A_47 = memref.load %arg4[%swap3A_45, %swap3A_46] : memref<1x1xf32, #tpu.memory_space<smem>>
      memref.store %reduce_sum3A_44, %arg4[%swap3A_45, %swap3A_46] : memref<1x1xf32, #tpu.memory_space<smem>>
    } else {
    }
    return
  }
  func.func @transform_0(%arg0: i32) -> (i32, i32) {
    %c0_i32 = arith.constant 0 : i32
    %c0_i32_0 = arith.constant 0 : i32
    return %arg0, %c0_i32 : i32, i32
  }
  func.func @transform_1(%arg0: i32) -> (i32, i32) {
    %c0_i32 = arith.constant 0 : i32
    %c0_i32_0 = arith.constant 0 : i32
    %c0_i32_1 = arith.constant 0 : i32
    return %c0_i32, %c0_i32_0 : i32, i32
  }
  func.func @transform_2(%arg0: i32) -> (i32, i32) {
    %c0_i32 = arith.constant 0 : i32
    %c0_i32_0 = arith.constant 0 : i32
    %c0_i32_1 = arith.constant 0 : i32
    return %c0_i32, %c0_i32_0 : i32, i32
  }
  func.func @transform_3(%arg0: i32) -> (i32, i32) {
    %c0_i32 = arith.constant 0 : i32
    %c0_i32_0 = arith.constant 0 : i32
    %c0_i32_1 = arith.constant 0 : i32
    return %c0_i32, %c0_i32_0 : i32, i32
  }
}

</mosaic_0001>

<sc_bundles>
// kernel: kernel.4.cloned.1.call-start
scs
__scs_entry_jumppad:
0x0: {  	(pc) =	sbr.rel $0x88, $3  }
0x1: {  	(tag) =	ssettag $0x0;
	lr =	simm.s32 $0x1  }
0x2: {  	[smem:$0x3F9F] =	sst lr;
	_ =	strace $0xD0000000  }
0x3: {  	_ = 	snop  }
0x4: {  	_ = 	snop  }
0x5: {  	_ = 	snop  }
0x6: {  	_ = 	snop  }
0x7: {  	_ = 	snop  }
__scs_overlays_trampoline_lowered:
0x8: {  	[smem:$0x3FAE] =	sst s0  }
0x9: {  	[smem:$0x3FAF] =	sst s1  }
0xa: {  	[smem:$0x3FB0] =	sst s2  }
0xb: {  	[smem:$0x3FB1] =	sst s3  }
0xc: {  	[smem:$0x3FB2] =	sst s4  }
0xd: {  	[smem:$0x3FB3] =	sst s5  }
0xe: {  	[smem:$0x3FB4] =	sst s6  }
0xf: {  	[smem:$0x3FB5] =	sst s7  }
0x10: {  	[smem:$0x3FB6] =	sst s8  }
0x11: {  	[smem:$0x3FB7] =	sst s9;
	s0 =	simm.s32 @!p0 $0x0  }
0x12: {  	s1 =	sld [smem:$0x3F9D];
	s0 =	simm.s32 @p0 $0x1  }
0x13: {  	[smem:$0x3FB8] =	sst s0;
	s0 =	simm.s32 @!p1 $0x0  }
0x14: {  	s2 =	sld [smem:$0x3F9C];
	s0 =	simm.s32 @p1 $0x1  }
0x15: {  	[smem:$0x3FB9] =	sst s0;
	s0 =	simm.s32 @!p2 $0x0  }
0x16: {  	s3 =	sld [smem:$0x3FDB];
	s0 =	simm.s32 @p2 $0x1  }
0x17: {  	s4 =	simm.s32 $0x1BF5;
	[smem:$0x3FBB] =	sst s0  }
0x18: {  	s0 =	sld [smem:$0x3F9E];
	_ =	swait.ge [sflag:s4], $0x0  }
0x19: {  	s7 =	sld [smem:$0x3F9F]  }
0x1a: {  	s8 =	sadd.s32 $0xFFFFE003, lr  }
0x1b: {  	s9 =	sadd.s32 $0xFFFFFEF7, lr;
	s5 =	simm.s32 $0xFFFFFFFF;
	p2 =	slt.u32 s8, $0xFFFFF086  }
0x1c: {  	p1 =	slt.u32 s9, $0xF7A;
	s5 =	simm.s32 @!p2 $0x0  }
0x1d: {  	s5 =	simm.s32 @p1 $0x1;
	p0 =	seq.s32 s7, s2  }
0x1e: {  	s7 =	smul.u32 @!p0 $0xF7A, s2;
	p2 =	seq.s32 @!p0 s5, $0x0  }
0x1f: {  	s9 =	smul.u32 $0xF7A, s1;
	s8 =	simm.s32 @!p0 $0x1BF5;
	p2 =	por !p2, p0  }
0x20: {  	[sflag:s8] =	ssyncset.s32 @!p0 $0xFFFFF086;
	s6 =	sadd.s32 @!p0 s3, s7;
	s7 =	simm.s32 @!p0 $0x108  }
0x21: {  	s3 =	sadd.s32 s3, s9;
	s6 =	sadd.s32 @!p0 $0x88, s6;
	s7 =	simm.s32 @p2 $0x1082  }
0x22: {  	[simem:s7], [sflag:s8] =	dma.local @!p0 [hbm:s6], $0xF7A  }
0x23: {  	s9 =	sor.u32 $0xD0000000, s2;
	s6 =	simm.s32 $0x108;
	_ =	swait.ge @!p0 [sflag:s8], $0x0  }
0x24: {  	s3 =	sadd.s32 $0x88, s3;
	s6 =	simm.s32 @!p1 $0x1082;
	[sflag:s4] =	ssyncset.s32 $0xFFFFF086  }
0x25: {  	[simem:s6], [sflag:s4] =	dma.local [hbm:s3], $0xF7A  }
0x26: {  	[smem:$0x3F9F] =	sst s1;
	(tag) =	ssettag s2;
	_ =	strace s9  }
0x27: {  	s1 =	sld [smem:$0x3FAF]  }
0x28: {  	s2 =	sld [smem:$0x3FB0]  }
0x29: {  	s4 =	sld [smem:$0x3FB2]  }
0x2a: {  	p0 =	seq.s32 s5, $0x0;
	s5 =	sld [smem:$0x3FB3]  }
0x2b: {  	s6 =	sld [smem:$0x3FB4]  }
0x2c: {  	s7 =	sld [smem:$0x3FB5]  }
0x2d: {  	s3 =	simm.s32 $0x108;
	s8 =	sld [smem:$0x3FB6]  }
0x2e: {  	s3 =	simm.s32 @!p0 $0x1082;
	s9 =	sld [smem:$0x3FB7]  }
0x2f: {  	lr =	sadd.s32 s0, s3;
	s0 =	sld [smem:$0x3FAE]  }
0x30: {  	s3 =	sld [smem:$0x3FB1]  }
0x31: {  	[smem:$0x3FBA] =	sst s10  }
0x32: {  	s10 =	sld [smem:$0x3FB8];
	_ =	sdelay $0x3  }
0x33: {  	p0 =	seq.s32 s10, $0x1;
	s10 =	sld [smem:$0x3FBA];
	_ =	sdelay $0x3  }
0x34: {  	[smem:$0x3FBA] =	sst s10  }
0x35: {  	s10 =	sld [smem:$0x3FB9];
	_ =	sdelay $0x3  }
0x36: {  	p1 =	seq.s32 s10, $0x1;
	s10 =	sld [smem:$0x3FBA];
	_ =	sdelay $0x3  }
0x37: {  	[smem:$0x3FBA] =	sst s10  }
0x38: {  	s10 =	sld [smem:$0x3FBB]  }
0x39: {  	_ = 	snop;
	(pc) =	sbr.ind lr, $3  }
0x3a: {  	_ = 	snop  }
0x3b: {  	_ = 	snop  }
0x3c: {  	p2 =	seq.s32 s10, $0x1;
	s10 =	sld [smem:$0x3FBA]  }
0x3d: {  	_ =	shalt  }
0x3e: {  	_ =	shalt  }
0x3f: {  	_ =	shalt  }
0x40: {  	_ =	shalt  }
0x41: {  	_ =	shalt  }
0x42: {  	_ =	shalt  }
0x43: {  	_ =	shalt  }
0x44: {  	_ =	shalt  }
0x45: {  	_ =	shalt  }
0x46: {  	_ =	shalt  }
0x47: {  	_ =	shalt  }
0x48: {  	_ =	shalt  }
0x49: {  	_ =	shalt  }
0x4a: {  	_ =	shalt  }
0x4b: {  	_ =	shalt  }
0x4c: {  	_ =	shalt  }
0x4d: {  	_ =	shalt  }
0x4e: {  	_ =	shalt  }
0x4f: {  	_ =	shalt  }
0x50: {  	_ =	shalt  }
0x51: {  	_ =	shalt  }
0x52: {  	_ =	shalt  }
0x53: {  	_ =	shalt  }
0x54: {  	_ =	shalt  }
0x55: {  	_ =	shalt  }
0x56: {  	_ =	shalt  }
0x57: {  	_ =	shalt  }
0x58: {  	_ =	shalt  }
0x59: {  	_ =	shalt  }
0x5a: {  	_ =	shalt  }
0x5b: {  	_ =	shalt  }
0x5c: {  	_ =	shalt  }
0x5d: {  	_ =	shalt  }
0x5e: {  	_ =	shalt  }
0x5f: {  	_ =	shalt  }
0x60: {  	_ =	shalt  }
0x61: {  	_ =	shalt  }
0x62: {  	_ =	shalt  }
0x63: {  	_ =	shalt  }
0x64: {  	_ =	shalt  }
0x65: {  	_ =	shalt  }
0x66: {  	_ =	shalt  }
0x67: {  	_ =	shalt  }
0x68: {  	_ =	shalt  }
0x69: {  	_ =	shalt  }
0x6a: {  	_ =	shalt  }
0x6b: {  	_ =	shalt  }
0x6c: {  	_ =	shalt  }
0x6d: {  	_ =	shalt  }
0x6e: {  	_ =	shalt  }
0x6f: {  	_ =	shalt  }
0x70: {  	_ =	shalt  }
0x71: {  	_ =	shalt  }
0x72: {  	_ =	shalt  }
0x73: {  	_ =	shalt  }
0x74: {  	_ =	shalt  }
0x75: {  	_ =	shalt  }
0x76: {  	_ =	shalt  }
0x77: {  	_ =	shalt  }
0x78: {  	_ =	shalt  }
0x79: {  	_ =	shalt  }
0x7a: {  	_ =	shalt  }
0x7b: {  	_ =	shalt  }
0x7c: {  	_ =	shalt  }
0x7d: {  	_ =	shalt  }
0x7e: {  	_ =	shalt  }
0x7f: {  	_ =	shalt  }
0x80: {  	_ =	shalt  }
0x81: {  	_ =	shalt  }
0x82: {  	_ =	shalt  }
0x83: {  	_ =	shalt  }
0x84: {  	_ =	shalt  }
0x85: {  	_ =	shalt  }
0x86: {  	_ =	shalt  }
0x87: {  	_ =	shalt  }
.Lfunc_end0:
.L_simem_size_0:
called_computation_lowered:
.L_overlay_start_0:
0x88: {  	s2 =	sld [smem:$0x3FD9]  }
0x89: {  	s3 =	sld [smem:$0x3FFE];
	_ =	sdelay $0x1  }
0x8a: {  	s1 =	srdreg.scid  }
0x8b: {  	s0 =	sand.u32 $0x1, s1  }
0x8c: {  	s14 =	sshll.u32 s0, $0xA;
	s2 =	sadd.s32 s3, s2  }
0x8d: {  	s2 =	sadd.s32 s2, s14  }
0x8e: {  	[smem:$0x3FC6] =	sst s2  }
0x8f: {  	_ = 	snop  }
0x90: {  	s2 =	sld [smem:$0x3FD0];
	_ =	sdelay $0x2  }
0x91: {  	s15 =	simm.s32 $0xA;
	s4 =	simm.s32 $0x10  }
0x92: {  	[smem:s4], [sflag:s15] =	dma.local [hbm:s2], $0x1  }
0x93: {  	_ =	swait.eq [sflag:s15], $0x1  }
0x94: {  	[sflag:s15] =	ssyncset.done $0x0  }
0x95: {  	s16 =	sld [smem:$0x10];
	[sflag:s15] =	ssyncadd.s32 $0xFFFFFFFF  }
0x96: {  	s17 =	sld [smem:$0x11];
	(tm) =	ssettm $0x1  }
0x97: {  	s18 =	sld [smem:$0x3FFB];
	_ =	sdelay $0x3  }
0x98: {  	_ =	strace s18  }
0x99: {  	s4 =	sld [smem:$0x3FFC];
	_ =	sdelay $0x3  }
0x9a: {  	_ =	strace s4  }
0x9b: {  	s4 =	sld [smem:$0x3FFD];
	_ =	sdelay $0x3  }
0x9c: {  	_ =	strace s4  }
0x9d: {  	_ =	strace $0x8FFFFFFF  }
0x9e: {  	s19 =	sld [smem:$0x3FDB];
	_ =	sdelay $0x1  }
0x9f: {  	s5 =	simm.s32 $_scs_section_size  }
0xa0: {  	s6 =	simm.s32 $_size__tile_overlayer_lowered;
	s7 =	simm.s32 $_tile_overlayer_lowered  }
0xa1: {  	s22 =	simm.s32 $0x1BFF;
	s21 =	sshll.u32 s7, $0x1;
	s4 =	sadd.s32 s5, s19  }
0xa2: {  	s8 =	simm.s32 $0x0;
	s20 =	sshll.u32 s6, $0x1;
	s6 =	sadd.s32 s21, s4  }
0xa3: {  	[timem:s8], [sflag:s22] =	dma.local [hbm:s6], s20  }
0xa4: {  	_ =	swait.ge [sflag:s22], s20  }
0xa5: {  	s5 =	ssub.s32 $0x0, s20;
	[sflag:s22] =	ssyncset.done $0x0  }
0xa6: {  	[sflag:s22] =	ssyncadd.s32 s5;
	_ =	sdelay $0x1  }
0xa7: {  	s23 =	simm.s32 $0x1B8B  }
0xa8: {  	_ =	swait.ge [sflag:s23], $0x1  }
0xa9: {  	[sflag:s23] =	ssyncset.done $0x0  }
0xaa: {  	s25 =	simm.s32 $0x1B8E;
	s24 =	sld [smem:$0x3FFE];
	[sflag:s23] =	ssyncadd.s32 $0xFFFFFFFF  }
0xab: {  	s26 =	simm.s32 $execute0_lowered;
	[smem:$0x3FD2] =	sst s25  }
0xac: {  	s6 =	sshll.u32 s26, $0x1;
	_ =	strace $0x80000046;
	[dreg:$0x1] =	wrdreg $0xFFFFFFFF  }
0xad: {  	s28 =	simm.s32 $_size_execute0_lowered;
	s4 =	sadd.s32 s4, s6;
	[dreg:$0x0] =	wrdreg $0x0  }
0xae: {  	s6 =	sshll.u32 s28, $0x1;
	[dreg:$0x2] =	wrdreg s4  }
0xaf: {  	[dreg:$0x3] =	wrdreg s6  }
0xb0: {  	[dreg:$0x4] =	wrdreg $0xC0  }
0xb1: {  	_ =	task [dreg:s8], $0x5FFFF  }
0xb2: {  	[dreg:$0x1] =	wrdreg $0xFFFFFFFF  }
0xb3: {  	[dreg:$0x0] =	wrdreg $0x60  }
0xb4: {  	[dreg:$0x2] =	wrdreg s24  }
0xb5: {  	[dreg:$0x3] =	wrdreg s16  }
0xb6: {  	[dreg:$0x4] =	wrdreg s17  }
0xb7: {  	[dreg:$0x5] =	wrdreg $0x9  }
0xb8: {  	_ =	task.clear_ibuf [dreg:s8], $0x6FFFF;
	_ =	strace $0x90000046  }
0xb9: {  	s29 =	simm.s32 $0x9;
	_ =	strace $0x80000048  }
0xba: {  	_ =	swait.ge [sflag:s29], $0x1  }
0xbb: {  	[sflag:s29] =	ssyncadd.s32 $0xFFFFFFFF  }
0xbc: {  	_ =	strace $0x90000048  }
0xbd: {  	_ =	sfence  }
0xbe: {  	s30 =	sld [smem:$0x0];
	_ =	sdelay $0x2  }
0xbf: {  	s31 =	sshll.u32 s1, $0xD;
	s1 =	sshrl.u32 s1, $0x2  }
0xc0: {  	s3 =	sand.u32 $0x4000, s31;
	s1 =	sadd.s32 s1, s30  }
0xc1: {  	s0 =	sor.u32 s3, s0;
	s1 =	sshll.u32 s1, $0x11  }
0xc2: {  	s0 =	sor.u32 s1, s0  }
0xc3: {  	s0 =	sadd.s32 $0x8F2B, s0  }
0xc4: {  	[sflag:s0] =	ssyncadd.remote.s32 $0x1  }
0xc5: {  	_ =	sfence.sel $0xFFFF  }
0xc6: {  	[dreg:$0x0] =	wrdreg $0xFFFFFFFF;
	(pc) =	sbr.abs _section_cstart, $3  }
0xc7: {  	[dreg:$0x1] =	wrdreg $0xFFFFFFFF  }
0xc8: {  	_ =	task.clear_ibuf [dreg:s8], $0x2FFFF;
	_ =	strace $0x9FFFFFFF  }
0xc9: {  	(tm) =	ssettm $0x7FFFFFFF  }
tec
execute0_lowered:
.L_overlay_start_1:
0x0: {  	(tag) =	ssettag $0x1  }
0x1: {  	s3 =	rddreg [dreg:$0x0]  }
0x2: {  	s4 =	rddreg [dreg:$0x1]  }
0x3: {  	s5 =	rddreg [dreg:$0x2];
	s2 =	srdreg.scid  }
0x4: {  	s0 =	rddreg [dreg:$0x3];
	s1 =	stileid.u32;
	s9 =	simm.s32 $0x1  }
0x5: {  	s10 =	simm.s32 $0x2000;
	s11 =	simm.s32 $0x2400;
	s12 =	simm.s32 $0x0  }
0x6: {  	s6 =	sand.u32 $0x1, s2;
	s2 =	simm.s32 $0x0;
	s7 =	sshll.u32 s1, $0xA  }
0x7: {  	s8 =	sshll.u32 s6, $0x9;
	[smem:$0x7FF] =	sst s2;
	s6 =	ssub.s32 $0x2, s6  }
0x8: {  	s7 =	sor.u32 s8, s7;
	_ =	strace $0x80000047;
	s31 =	sshrl.u32 s6, $0x1  }
0x9: {  	s8 =	simm.s32 $0x20000;
	s3 =	sadd.s32 s7, s3;
	s7 =	sshrl.u32 s7, $0x2  }
0xa: {  	s6 =	ssub.s32 s6, s31;
	s3 =	sadd.s32 $0xE00, s3;
	s4 =	sadd.s32 s4, s7  }
0xb: {  	v0 =	vimm.f32 $1.600000000e+01;
	v1 =	vimm.s32 $0x10;
	s5 =	sadd.s32 s5, s7;
	s6 =	smax.u32 s6, $0x1;
	s7 =	simm.s32 $0x1000  }
.LBB2_1:
0xc: {  	[tilespmem:s2], [sflag:$0x1] =	stream.strided.gather [hbm4b:s3+s7], $0x2000, s8, s7, $0x38;
	[tilespmem:$0x2800] =	vst v63  }
0xd: {  	s14 =	simm.s32 $0x0;
	_ =	swait.ge [sflag:s9], $0x2000  }
0xe: {  	s13 =	sand.u32 $0x70, s2;
	s14 =	sand.u32 $0x3FFFFC00, s14;
	[sflag:s9] =	ssyncset.done $0x0  }
0xf: {  	s14 =	sor.u32 s13, s14;
	[sflag:s9] =	ssyncadd.s32 $0xFFFFE000  }
0x10: {  	v2 =	vld [tilespmem:s14+$0x0]  }
0x11: {  	v3 =	vld [tilespmem:s14+$0x80]  }
0x12: {  	v4 =	vld [tilespmem:s14+$0x100]  }
0x13: {  	v5 =	vld [tilespmem:s14+$0x180]  }
0x14: {  	v6 =	vld [tilespmem:s14+$0x200]  }
0x15: {  	v7 =	vld [tilespmem:s14+$0x280]  }
0x16: {  	v8 =	vld [tilespmem:s14+$0x300];
	v9 =	vmax.f32 v2, v3  }
0x17: {  	v10 =	vld [tilespmem:s14+$0x380];
	v9 =	vmax.f32 v9, v4  }
0x18: {  	v11 =	vld [tilespmem:s14+$0x1000];
	v9 =	vmax.f32 v9, v5  }
0x19: {  	v12 =	vld [tilespmem:s14+$0x1080];
	v9 =	vmax.f32 v9, v6  }
0x1a: {  	v13 =	vld [tilespmem:s14+$0x1100];
	v9 =	vmax.f32 v9, v7  }
0x1b: {  	v14 =	vld [tilespmem:s14+$0x1180];
	v9 =	vmax.f32 v9, v8  }
0x1c: {  	v15 =	vld [tilespmem:s14+$0x1200];
	v9 =	vmax.f32 v9, v10  }
0x1d: {  	v16 =	vld [tilespmem:s14+$0x1280];
	v9 =	vmax.f32 v9, v11  }
0x1e: {  	v17 =	vld [tilespmem:s14+$0x1300];
	v9 =	vmax.f32 v9, v12  }
0x1f: {  	v18 =	vld [tilespmem:s14+$0x1380];
	v9 =	vmax.f32 v9, v13  }
0x20: {  	v9 =	vmax.f32 v9, v14  }
0x21: {  	v9 =	vmax.f32 v9, v15  }
0x22: {  	v9 =	vmax.f32 v9, v16  }
0x23: {  	v9 =	vmax.f32 v9, v17  }
0x24: {  	v9 =	vmax.f32 v9, v18  }
0x25: {  	v2 =	vsub.f32 v2, v9  }
0x26: {  	v3 =	vsub.f32 v3, v9;
	v4 =	vsub.f32 v4, v9  }
0x27: {  	v5 =	vsub.f32 v5, v9;
	v2 =	vmul.f32 $1.442695020e+00, v2  }
0x28: {  	v6 =	vsub.f32 v6, v9;
	v3 =	vmul.f32 $1.442695020e+00, v3;
	v4 =	vmul.f32 $1.442695020e+00, v4  }
0x29: {  	v7 =	vsub.f32 v7, v9;
	v5 =	vmul.f32 $1.442695020e+00, v5;
	(erf) = vpow2.f32 v2  }
0x2a: {  	v2 =	vmul.f32 $1.442695020e+00, v6;
	v6 =	vsub.f32 v8, v9;
	(erf) = vpow2.f32 v3  }
0x2b: {  	v3 =	vmul.f32 $1.442695020e+00, v7;
	v7 =	vsub.f32 v10, v9;
	(erf) = vpow2.f32 v4  }
0x2c: {  	v4 =	vmul.f32 $1.442695020e+00, v6;
	v6 =	vsub.f32 v11, v9  }
0x2d: {  	(erf) = vpow2.f32 v5;
	v5 =	vmul.f32 $1.442695020e+00, v7;
	v7 =	vsub.f32 v12, v9  }
0x2e: {  	(erf) = vpow2.f32 v2;
	v2 =	vmul.f32 $1.442695020e+00, v6;
	v6 =	vsub.f32 v13, v9  }
0x2f: {  	(erf) = vpow2.f32 v3;
	v3 =	vmul.f32 $1.442695020e+00, v7  }
0x30: {  	(erf) = vpow2.f32 v4;
	v4 =	vmul.f32 $1.442695020e+00, v6;
	v6 =	vsub.f32 v15, v9  }
0x31: {  	v7 =	vsub.f32 v14, v9;
	(erf) = vpow2.f32 v5  }
0x32: {  	v10 =	vsub.f32 v17, v9;
	(erf) = vpow2.f32 v2;
	v2 =	vpop (erf)  }
0x33: {  	v5 =	vmul.f32 $1.442695020e+00, v7;
	v7 =	vsub.f32 v16, v9;
	(erf) = vpow2.f32 v3;
	v3 =	vpop (erf)  }
0x34: {  	v8 =	vmul.f32 $1.442695020e+00, v6;
	(erf) = vpow2.f32 v4;
	v4 =	vmax.f32 v2, v3;
	v6 =	vpop (erf)  }
0x35: {  	v7 =	vmul.f32 $1.442695020e+00, v7;
	(erf) = vpow2.f32 v5;
	v5 =	vmax.f32 v4, v6;
	_ =	sdelay $0x1  }
0x36: {  	v10 =	vmul.f32 $1.442695020e+00, v10;
	v4 =	vpop (erf)  }
0x37: {  	v9 =	vsub.f32 v18, v9;
	(erf) = vpow2.f32 v8;
	v8 =	vmax.f32 v5, v4;
	v5 =	vpop (erf)  }
0x38: {  	(erf) = vpow2.f32 v7;
	v8 =	vmax.f32 v8, v5;
	v7 =	vpop (erf)  }
0x39: {  	v9 =	vmul.f32 $1.442695020e+00, v9;
	(erf) = vpow2.f32 v10;
	v10 =	vmax.f32 v8, v7;
	_ =	sdelay $0x1  }
0x3a: {  	v8 =	vpop (erf);
	(erf) = vpow2.f32 v9  }
0x3b: {  	v9 =	vmax.f32 v10, v8;
	v10 =	vpop (erf)  }
0x3c: {  	v9 =	vmax.f32 v9, v10;
	v11 =	vpop (erf)  }
0x3d: {  	v9 =	vmax.f32 v9, v11;
	v13 =	vpop (erf)  }
0x3e: {  	v9 =	vmax.f32 v9, v13;
	v12 =	vpop (erf)  }
0x3f: {  	v9 =	vmax.f32 v9, v12;
	v14 =	vpop (erf)  }
0x40: {  	v9 =	vmax.f32 v9, v14;
	v15 =	vpop (erf)  }
0x41: {  	v9 =	vmax.f32 v9, v15;
	v16 =	vpop (erf)  }
0x42: {  	v9 =	vmax.f32 v9, v16;
	v17 =	vpop (erf)  }
0x43: {  	v9 =	vmax.f32 v9, v17;
	v18 =	vpop (erf)  }
0x44: {  	v9 =	vmax.f32 v9, v18  }
0x45: {  	vm0 =	veq.f32 v18, v9  }
0x46: {  	v19 =	vsel vm0, $0x41700000, v0;
	vm0 =	veq.f32 v17, v9  }
0x47: {  	v19 =	vsel vm0, $0x41600000, v19;
	vm0 =	veq.f32 v16, v9  }
0x48: {  	v19 =	vsel vm0, $0x41500000, v19;
	vm0 =	veq.f32 v15, v9  }
0x49: {  	v19 =	vsel vm0, $0x41400000, v19;
	vm0 =	veq.f32 v14, v9  }
0x4a: {  	v19 =	vsel vm0, $0x41300000, v19;
	vm0 =	veq.f32 v12, v9  }
0x4b: {  	v19 =	vsel vm0, $0x41200000, v19;
	vm0 =	veq.f32 v13, v9  }
0x4c: {  	v19 =	vsel vm0, $0x41100000, v19;
	vm0 =	veq.f32 v11, v9  }
0x4d: {  	vm1 =	veq.f32 v10, v9;
	v19 =	vsel vm0, $0x41000000, v19  }
0x4e: {  	vm0 =	veq.f32 v8, v9;
	v19 =	vsel vm1, $0x40E00000, v19  }
0x4f: {  	vm1 =	veq.f32 v7, v9;
	v19 =	vsel vm0, $0x40C00000, v19  }
0x50: {  	vm0 =	veq.f32 v5, v9;
	v19 =	vsel vm1, $0x40A00000, v19  }
0x51: {  	vm1 =	veq.f32 v4, v9;
	v19 =	vsel vm0, $0x40800000, v19  }
0x52: {  	vm0 =	veq.f32 v6, v9;
	v19 =	vsel vm1, $0x40400000, v19  }
0x53: {  	vm1 =	veq.f32 v3, v9;
	v19 =	vsel vm0, $0x40000000, v19  }
0x54: {  	vm0 =	veq.f32 v2, v9;
	v19 =	vsel vm1, $0x3F800000, v19  }
0x55: {  	v19 =	vsel vm0, $0x0, v19  }
0x56: {  	vm0 =	veq.f32 v19, $1.000000000e+00  }
0x57: {  	v21 =	vimm.s32 $0x0;
	v20 =	vsel vm0, $0xFF800000, v3;
	vm0 =	vgt.f32 v19, $1.500000000e+01  }
0x58: {  	v21 =	vsel vm0, $0xFFFFFFFF, v21  }
0x59: {  	vm0 =	vlt.f32 v19, $9.000000000e+00;
	[tilespmem:$0x1FFE0] =	vst v21;
	v21 =	vimm.s32 $0x0  }
0x5a: {  	v21 =	vsel vm0, $0xFFFFFFFF, v21  }
0x5b: {  	s15 =	simm.s32 $0x1;
	s16 =	simm.s32 $0x0;
	s14 =	simm.s32 $0x0;
	vm4 =	veq.f32 v19, $0.0e+00;
	vm2 =	vgt.f32 v19, $8.000000000e+00;
	[tilespmem:$0x1FFF0] =	vst v21  }
.LBB2_2:
0x5c: {  	v21 =	vmax.f32 v2, v20;
	vm0 =	vgt.f32 v19, $1.400000000e+01;
	vm6 =	vlt.f32 v19, $1.000000000e+01  }
0x5d: {  	vm5 =	vlt.f32 v19, $1.400000000e+01;
	vm7 =	veq.f32 v19, $2.000000000e+00;
	vm8 =	vgt.f32 v19, $1.300000000e+01  }
0x5e: {  	vm9 =	vlt.f32 v19, $1.200000000e+01;
	vm10 =	veq.f32 v19, $3.000000000e+00;
	v22 =	vimm.s32 $0x0  }
0x5f: {  	vm15 =	veq.f32 v19, $4.000000000e+00;
	vm11 =	vgt.f32 v19, $1.100000000e+01;
	v20 =	vsel vm4, v20, v21  }
0x60: {  	vm12 =	veq.f32 v19, $5.000000000e+00;
	v23 =	vimm.s32 $0x0;
	v20 =	vmax.f32 v20, v6  }
0x61: {  	vm14 =	vgt.f32 v19, $2.000000000e+00;
	v21 =	vsel vm7, v21, v20;
	vm7 =	vlt.f32 v19, $1.300000000e+01  }
0x62: {  	vm13 =	vgt.f32 v19, $6.000000000e+00;
	v21 =	vmax.f32 v21, v4;
	vm1 =	vmor vm8, vm7  }
0x63: {  	vm3 =	vlt.f32 v19, $3.000000000e+00;
	v22 =	vsel vm1, $0xFFFFFFFF, v22;
	v20 =	vsel vm10, v20, v21  }
0x64: {  	vm4 =	vgt.f32 v19, $1.200000000e+01;
	vm8 =	vlt.f32 v19, $1.500000000e+01;
	[tilespmem:$0x1FFA0] =	vst v22;
	v22 =	vmax.f32 v20, v5  }
0x65: {  	vm7 =	vlt.f32 v19, $1.100000000e+01;
	vm1 =	vmor vm4, vm9;
	v21 =	vsel vm15, v21, v22  }
0x66: {  	vm10 =	vmor vm0, vm5;
	vm0 =	vmor vm11, vm7;
	v21 =	vmax.f32 v21, v7  }
0x67: {  	vm7 =	veq.f32 v19, $6.000000000e+00;
	vm11 =	veq.f32 v19, $1.000000000e+01;
	v22 =	vsel vm12, v22, v21  }
0x68: {  	v20 =	vimm.s32 $0x0;
	v23 =	vsel vm0, $0xFFFFFFFF, v23;
	v22 =	vmax.f32 v22, v8  }
0x69: {  	vm0 =	vgt.f32 v19, $1.000000000e+01;
	v20 =	vsel vm1, $0xFFFFFFFF, v20;
	v21 =	vsel vm7, v21, v22  }
0x6a: {  	vm6 =	vmor vm0, vm6;
	vm7 =	veq.f32 v19, $7.000000000e+00;
	v21 =	vmax.f32 v21, v10  }
0x6b: {  	[tilespmem:$0x1FFC0] =	vst v23;
	vm0 =	vlt.f32 v19, $8.000000000e+00;
	v23 =	vimm.s32 $0x0;
	v22 =	vsel vm7, v22, v21  }
0x6c: {  	vm0 =	vmor vm2, vm0;
	vm7 =	veq.f32 v19, $8.000000000e+00;
	v22 =	vmax.f32 v22, v11  }
0x6d: {  	v23 =	vsel vm0, $0xFFFFFFFF, v23;
	vm0 =	vlt.f32 v19, $6.000000000e+00;
	v21 =	vsel vm7, v21, v22  }
0x6e: {  	vm12 =	veq.f32 v19, $9.000000000e+00;
	vm7 =	vmor vm13, vm0;
	v21 =	vmax.f32 v21, v13  }
0x6f: {  	vm0 =	vlt.f32 v19, $5.000000000e+00;
	vm13 =	vgt.f32 v19, $5.000000000e+00;
	v22 =	vsel vm12, v22, v21  }
0x70: {  	vm15 =	vlt.f32 v19, $7.000000000e+00;
	vm9 =	vmor vm13, vm0;
	v22 =	vmax.f32 v22, v12  }
0x71: {  	vm0 =	vlt.f32 v19, $4.000000000e+00;
	vm12 =	vgt.f32 v19, $4.000000000e+00;
	v21 =	vsel vm11, v21, v22  }
0x72: {  	vm13 =	vmor vm12, vm0;
	vm0 =	veq.f32 v19, $1.100000000e+01;
	v21 =	vmax.f32 v21, v14  }
0x73: {  	vm1 =	vlt.f32 v19, $1.000000000e+00;
	vm2 =	vlt.f32 v19, $2.000000000e+00;
	v22 =	vsel vm0, v22, v21  }
0x74: {  	vm14 =	vmor vm14, vm2;
	vm11 =	veq.f32 v19, $1.200000000e+01;
	v22 =	vmax.f32 v22, v15  }
0x75: {  	vm2 =	vgt.f32 v19, $7.000000000e+00;
	vm0 =	vgt.f32 v19, $1.000000000e+00;
	v21 =	vsel vm11, v21, v22  }
0x76: {  	vm11 =	vmor vm0, vm1;
	vm1 =	veq.f32 v19, $1.300000000e+01;
	v21 =	vmax.f32 v21, v16  }
0x77: {  	vm12 =	vlt.f32 v19, $0.0e+00;
	vm0 =	vgt.f32 v19, $0.0e+00;
	v22 =	vsel vm1, v22, v21  }
0x78: {  	vm12 =	vmor vm0, vm12;
	vm0 =	veq.f32 v19, $1.400000000e+01;
	v22 =	vmax.f32 v22, v17  }
0x79: {  	vm5 =	vmor vm2, vm15;
	vm1 =	vgt.f32 v19, $3.000000000e+00;
	v21 =	vsel vm0, v21, v22  }
0x7a: {  	vm15 =	vmor vm1, vm3;
	vm1 =	veq.f32 v19, $1.500000000e+01;
	v21 =	vmax.f32 v21, v18  }
0x7b: {  	[tilespmem:$0x1FFB0] =	vst v20;
	v20 =	vtrunc.f32 v19;
	vm2 =	vgt.f32 v19, $9.000000000e+00;
	v19 =	vsel vm1, v22, v21;
	v21 =	vld [tilespmem:$0x1FFE0];
	_ =	sdelay $0x4  }
0x7c: {  	vm0 =	vnez.u8 v21;
	v21 =	vld [tilespmem:$0x1FFF0];
	_ =	sdelay $0x4  }
0x7d: {  	vm1 =	vmor vm0, vm8;
	vm0 =	vnez.u8 v21  }
0x7e: {  	vm4 =	vmor vm2, vm0;
	vm2 =	veq.f32 v13, v19;
	v13 =	vadd.f32 v19, v9;
	_ =	sdelay $0x1  }
0x7f: {  	(erf) = vrcp.f32 v13;
	v13 =	vld [tilespmem:$0x1FFA0];
	_ =	sdelay $0x2  }
0x80: {  	vm3 =	veq.f32 v18, v19;
	vm8 =	veq.f32 v17, v19  }
0x81: {  	vm1 =	vmand vm1, vm3;
	vm3 =	veq.f32 v14, v19;
	vm8 =	vmand vm10, vm8  }
0x82: {  	v14 =	vsel vm1, $0xF, v1;
	vm1 =	veq.f32 v16, v19;
	vm0 =	vnez.u8 v13;
	v13 =	vld [tilespmem:$0x1FFB0]  }
0x83: {  	v14 =	vsel vm8, $0xE, v14;
	vm8 =	vmand vm0, vm1;
	vm1 =	veq.f32 v6, v19;
	v6 =	vld [tilespmem:$0x1FFC0];
	_ =	sdelay $0x1  }
0x84: {  	[tilespmem:$0x1FFD0] =	vst v23  }
0x85: {  	vm2 =	vmand vm4, vm2;
	vm4 =	veq.f32 v10, v19;
	v10 =	vld [tilespmem:$0x1FFD0]  }
0x86: {  	vm10 =	veq.f32 v15, v19;
	vm0 =	vnez.u8 v13  }
0x87: {  	vm10 =	vmand vm0, vm10;
	vm0 =	vnez.u8 v6  }
0x88: {  	v6 =	vsel vm8, $0xD, v14;
	vm3 =	vmand vm0, vm3;
	vm0 =	veq.f32 v12, v19  }
0x89: {  	v6 =	vsel vm10, $0xC, v6;
	vm0 =	vmand vm6, vm0  }
0x8a: {  	vm6 =	veq.f32 v11, v19;
	v6 =	vsel vm3, $0xB, v6;
	vm3 =	vnez.u8 v10  }
0x8b: {  	vm3 =	vmand vm3, vm6;
	vm6 =	veq.f32 v8, v19;
	v6 =	vsel vm0, $0xA, v6  }
0x8c: {  	vm0 =	vmand vm5, vm4;
	vm4 =	veq.f32 v7, v19;
	v6 =	vsel vm2, $0x9, v6  }
0x8d: {  	vm5 =	veq.f32 v5, v19;
	vm2 =	vmand vm7, vm6;
	v6 =	vsel vm3, $0x8, v6  }
0x8e: {  	vm3 =	vmand vm9, vm4;
	vm4 =	veq.f32 v4, v19;
	v4 =	vsel vm0, $0x7, v6  }
0x8f: {  	vm1 =	vmand vm14, vm1;
	v5 =	vpop (erf);
	vm0 =	vmand vm13, vm5;
	v4 =	vsel vm2, $0x6, v4  }
0x90: {  	s20 =	sshll.u32 s14, $0x5;
	vm4 =	vmand vm15, vm4;
	v6 =	vmul.f32 v5, v9;
	v4 =	vsel vm3, $0x5, v4  }
0x91: {  	s19 =	smov.u32 s15;
	s31 =	sand.u32 $0xFFFFFF00, s20;
	v5 =	vmul.f32 v5, v19;
	vm2 =	veq.f32 v3, v19;
	v3 =	vsel vm0, $0x4, v4  }
0x92: {  	s17 =	sshll.u32 s19, $0x7;
	s14 =	smov.u32 s19;
	s19 =	sor.u32 s13, s31;
	vm0 =	vmand vm11, vm2;
	vm2 =	veq.f32 v2, v19;
	v2 =	vsel vm4, $0x3, v3  }
0x93: {  	[tilespmem:s19+$0x2000] =	vst v6;
	v3 =	vcvt.f32.s32 v20;
	v2 =	vsel vm1, $0x2, v2  }
0x94: {  	s16 =	sadd.s32 $0x10, s16;
	[tilespmem:s19+$0x2080] =	vst v5;
	vm2 =	vmand vm12, vm2;
	v2 =	vsel vm0, $0x1, v2  }
0x95: {  	s18 =	sand.u32 $0x70, s16;
	s17 =	sand.u32 $0x3FFFFC00, s17;
	[tilespmem:s19+$0x2400] =	vst v3;
	v2 =	vsel vm2, $0x0, v2  }
0x96: {  	s17 =	sor.u32 s18, s17;
	[tilespmem:s19+$0x2480] =	vst v2  }
0x97: {  	v2 =	vld [tilespmem:s17+$0x0]  }
0x98: {  	v3 =	vld [tilespmem:s17+$0x80]  }
0x99: {  	v4 =	vld [tilespmem:s17+$0x100]  }
0x9a: {  	v5 =	vld [tilespmem:s17+$0x180]  }
0x9b: {  	v6 =	vld [tilespmem:s17+$0x200]  }
0x9c: {  	v7 =	vld [tilespmem:s17+$0x280]  }
0x9d: {  	v8 =	vld [tilespmem:s17+$0x300];
	v9 =	vmax.f32 v2, v3  }
0x9e: {  	v10 =	vld [tilespmem:s17+$0x380];
	v9 =	vmax.f32 v9, v4  }
0x9f: {  	v11 =	vld [tilespmem:s17+$0x1000];
	v9 =	vmax.f32 v9, v5  }
0xa0: {  	v12 =	vld [tilespmem:s17+$0x1080];
	v9 =	vmax.f32 v9, v6  }
0xa1: {  	v13 =	vld [tilespmem:s17+$0x1100];
	v9 =	vmax.f32 v9, v7  }
0xa2: {  	v14 =	vld [tilespmem:s17+$0x1180];
	v9 =	vmax.f32 v9, v8  }
0xa3: {  	v15 =	vld [tilespmem:s17+$0x1200];
	v9 =	vmax.f32 v9, v10  }
0xa4: {  	v16 =	vld [tilespmem:s17+$0x1280];
	v9 =	vmax.f32 v9, v11  }
0xa5: {  	v17 =	vld [tilespmem:s17+$0x1300];
	v9 =	vmax.f32 v9, v12  }
0xa6: {  	v18 =	vld [tilespmem:s17+$0x1380];
	v9 =	vmax.f32 v9, v13  }
0xa7: {  	v9 =	vmax.f32 v9, v14  }
0xa8: {  	v9 =	vmax.f32 v9, v15  }
0xa9: {  	v9 =	vmax.f32 v9, v16  }
0xaa: {  	v9 =	vmax.f32 v9, v17  }
0xab: {  	v9 =	vmax.f32 v9, v18  }
0xac: {  	v2 =	vsub.f32 v2, v9  }
0xad: {  	v3 =	vsub.f32 v3, v9;
	v4 =	vsub.f32 v4, v9  }
0xae: {  	v5 =	vsub.f32 v5, v9;
	v2 =	vmul.f32 $1.442695020e+00, v2  }
0xaf: {  	v6 =	vsub.f32 v6, v9;
	v3 =	vmul.f32 $1.442695020e+00, v3;
	v4 =	vmul.f32 $1.442695020e+00, v4  }
0xb0: {  	v7 =	vsub.f32 v7, v9;
	v5 =	vmul.f32 $1.442695020e+00, v5;
	(erf) = vpow2.f32 v2  }
0xb1: {  	v8 =	vsub.f32 v8, v9;
	v6 =	vmul.f32 $1.442695020e+00, v6;
	(erf) = vpow2.f32 v3  }
0xb2: {  	v2 =	vmul.f32 $1.442695020e+00, v7;
	v7 =	vsub.f32 v10, v9;
	(erf) = vpow2.f32 v4  }
0xb3: {  	v3 =	vmul.f32 $1.442695020e+00, v8;
	v8 =	vsub.f32 v11, v9;
	(erf) = vpow2.f32 v5  }
0xb4: {  	v4 =	vmul.f32 $1.442695020e+00, v7;
	v7 =	vsub.f32 v12, v9;
	(erf) = vpow2.f32 v6  }
0xb5: {  	v12 =	vsub.f32 v15, v9;
	v5 =	vmul.f32 $1.442695020e+00, v8;
	(erf) = vpow2.f32 v2  }
0xb6: {  	v8 =	vsub.f32 v13, v9;
	v13 =	vsub.f32 v16, v9;
	(erf) = vpow2.f32 v3  }
0xb7: {  	v6 =	vmul.f32 $1.442695020e+00, v7;
	v7 =	vsub.f32 v14, v9;
	(erf) = vpow2.f32 v4  }
0xb8: {  	v8 =	vmul.f32 $1.442695020e+00, v8;
	v4 =	vsub.f32 v17, v9;
	(erf) = vpow2.f32 v5  }
0xb9: {  	v7 =	vmul.f32 $1.442695020e+00, v7;
	v5 =	vsub.f32 v18, v9;
	v2 =	vpop (erf);
	(erf) = vpow2.f32 v6  }
0xba: {  	v10 =	vmul.f32 $1.442695020e+00, v12;
	v3 =	vpop (erf);
	(erf) = vpow2.f32 v8  }
0xbb: {  	v11 =	vmul.f32 $1.442695020e+00, v13;
	v8 =	vmax.f32 v2, v3;
	v6 =	vpop (erf);
	(erf) = vpow2.f32 v7  }
0xbc: {  	v9 =	vmul.f32 $1.442695020e+00, v4;
	v8 =	vmax.f32 v8, v6;
	v4 =	vpop (erf);
	(erf) = vpow2.f32 v10  }
0xbd: {  	v12 =	vmul.f32 $1.442695020e+00, v5;
	v10 =	vmax.f32 v8, v4;
	v5 =	vpop (erf);
	(erf) = vpow2.f32 v11  }
0xbe: {  	v11 =	vmax.f32 v10, v5;
	v7 =	vpop (erf);
	(erf) = vpow2.f32 v9  }
0xbf: {  	v9 =	vmax.f32 v11, v7;
	v8 =	vpop (erf);
	(erf) = vpow2.f32 v12  }
0xc0: {  	v9 =	vmax.f32 v9, v8;
	v10 =	vpop (erf)  }
0xc1: {  	v9 =	vmax.f32 v9, v10;
	v11 =	vpop (erf)  }
0xc2: {  	v9 =	vmax.f32 v9, v11;
	v13 =	vpop (erf)  }
0xc3: {  	v9 =	vmax.f32 v9, v13;
	v12 =	vpop (erf)  }
0xc4: {  	v9 =	vmax.f32 v9, v12;
	v14 =	vpop (erf)  }
0xc5: {  	v9 =	vmax.f32 v9, v14;
	v15 =	vpop (erf)  }
0xc6: {  	v9 =	vmax.f32 v9, v15;
	v16 =	vpop (erf)  }
0xc7: {  	v9 =	vmax.f32 v9, v16;
	v17 =	vpop (erf)  }
0xc8: {  	v9 =	vmax.f32 v9, v17;
	v18 =	vpop (erf)  }
0xc9: {  	v9 =	vmax.f32 v9, v18  }
0xca: {  	vm1 =	veq.f32 v18, v9  }
0xcb: {  	v19 =	vsel vm1, $0x41700000, v0;
	vm1 =	veq.f32 v17, v9  }
0xcc: {  	v19 =	vsel vm1, $0x41600000, v19;
	vm1 =	veq.f32 v16, v9  }
0xcd: {  	v19 =	vsel vm1, $0x41500000, v19;
	vm1 =	veq.f32 v15, v9  }
0xce: {  	v19 =	vsel vm1, $0x41400000, v19;
	vm1 =	veq.f32 v14, v9  }
0xcf: {  	v19 =	vsel vm1, $0x41300000, v19;
	vm1 =	veq.f32 v12, v9  }
0xd0: {  	v19 =	vsel vm1, $0x41200000, v19;
	vm1 =	veq.f32 v13, v9  }
0xd1: {  	v19 =	vsel vm1, $0x41100000, v19;
	vm1 =	veq.f32 v11, v9  }
0xd2: {  	vm2 =	veq.f32 v10, v9;
	v19 =	vsel vm1, $0x41000000, v19  }
0xd3: {  	vm0 =	veq.f32 v8, v9;
	v19 =	vsel vm2, $0x40E00000, v19  }
0xd4: {  	vm3 =	veq.f32 v7, v9;
	v19 =	vsel vm0, $0x40C00000, v19  }
0xd5: {  	vm4 =	veq.f32 v5, v9;
	v19 =	vsel vm3, $0x40A00000, v19  }
0xd6: {  	vm5 =	veq.f32 v4, v9;
	v19 =	vsel vm4, $0x40800000, v19  }
0xd7: {  	vm6 =	veq.f32 v6, v9;
	v19 =	vsel vm5, $0x40400000, v19  }
0xd8: {  	vm7 =	veq.f32 v3, v9;
	v19 =	vsel vm6, $0x40000000, v19  }
0xd9: {  	vm15 =	veq.f32 v2, v9;
	v19 =	vsel vm7, $0x3F800000, v19  }
0xda: {  	v19 =	vsel vm15, $0x0, v19  }
0xdb: {  	p0 =	sne.s32 s15, $0x1F;
	vm0 =	veq.f32 v19, $1.000000000e+00  }
.Ltmp0:
0xdc: {  	v21 =	vimm.s32 $0x0;
	v20 =	vsel vm0, $0xFF800000, v3;
	vm0 =	vgt.f32 v19, $1.500000000e+01;
	(pc) =	sbr.rel @p0 .LBB2_2-.Ltmp0, $4  }
0xdd: {  	v21 =	vsel vm0, $0xFFFFFFFF, v21  }
0xde: {  	vm0 =	vlt.f32 v19, $9.000000000e+00;
	[tilespmem:$0x1FFE0] =	vst v21;
	v21 =	vimm.s32 $0x0  }
0xdf: {  	v21 =	vsel vm0, $0xFFFFFFFF, v21  }
0xe0: {  	s15 =	sadd.s32 $0x1, s15;
	s13 =	smov.u32 s18;
	vm4 =	veq.f32 v19, $0.0e+00;
	vm2 =	vgt.f32 v19, $8.000000000e+00;
	[tilespmem:$0x1FFF0] =	vst v21  }
0xe1: {  	v21 =	vmax.f32 v2, v20  }
0xe2: {  	vm0 =	veq.f32 v19, $2.000000000e+00;
	vm1 =	vgt.f32 v19, $1.400000000e+01;
	vm14 =	veq.f32 v19, $3.000000000e+00  }
0xe3: {  	vm3 =	vlt.f32 v19, $1.000000000e+01;
	vm5 =	vlt.f32 v19, $1.400000000e+01;
	v20 =	vsel vm4, v20, v21  }
0xe4: {  	vm15 =	vgt.f32 v19, $1.200000000e+01;
	vm10 =	veq.f32 v19, $4.000000000e+00;
	v20 =	vmax.f32 v20, v6  }
0xe5: {  	vm6 =	vgt.f32 v19, $1.300000000e+01;
	vm7 =	vlt.f32 v19, $1.300000000e+01;
	v21 =	vsel vm0, v21, v20  }
0xe6: {  	vm8 =	vlt.f32 v19, $1.200000000e+01;
	vm9 =	veq.f32 v19, $5.000000000e+00;
	v21 =	vmax.f32 v21, v4  }
0xe7: {  	v22 =	vimm.s32 $0x0;
	vm12 =	vlt.f32 v19, $1.100000000e+01;
	v20 =	vsel vm14, v20, v21  }
0xe8: {  	vm13 =	vgt.f32 v19, $1.100000000e+01;
	v46 =	vimm.s32 $0x0;
	v20 =	vmax.f32 v20, v5  }
0xe9: {  	v62 =	vtrunc.f32 v19;
	vm11 =	vmor vm6, vm7;
	v21 =	vsel vm10, v21, v20  }
0xea: {  	vm4 =	vmor vm15, vm8;
	vm15 =	vgt.f32 v19, $1.000000000e+01;
	v21 =	vmax.f32 v21, v7  }
0xeb: {  	vm7 =	vmor vm13, vm12;
	vm13 =	vgt.f32 v19, $2.000000000e+00;
	v20 =	vsel vm9, v20, v21  }
0xec: {  	vm12 =	vgt.f32 v19, $6.000000000e+00;
	vm14 =	veq.f32 v19, $6.000000000e+00;
	v20 =	vmax.f32 v20, v8  }
0xed: {  	vm8 =	vlt.f32 v19, $4.000000000e+00;
	v22 =	vsel vm11, $0xFFFFFFFF, v22;
	v21 =	vsel vm14, v21, v20  }
0xee: {  	vm11 =	vmor vm1, vm5;
	vm0 =	veq.f32 v19, $7.000000000e+00;
	v21 =	vmax.f32 v21, v10  }
0xef: {  	vm5 =	vmor vm15, vm3;
	vm1 =	vlt.f32 v19, $8.000000000e+00;
	v20 =	vsel vm0, v20, v21  }
0xf0: {  	vm15 =	vlt.f32 v19, $6.000000000e+00;
	vm10 =	veq.f32 v19, $8.000000000e+00;
	v20 =	vmax.f32 v20, v11  }
0xf1: {  	vm3 =	vgt.f32 v19, $5.000000000e+00;
	vm6 =	vmor vm12, vm15;
	v21 =	vsel vm10, v21, v20  }
0xf2: {  	vm15 =	veq.f32 v19, $1.000000000e+01;
	vm14 =	veq.f32 v19, $9.000000000e+00;
	v21 =	vmax.f32 v21, v13  }
0xf3: {  	vm9 =	vmor vm2, vm1;
	vm1 =	vlt.f32 v19, $5.000000000e+00;
	v20 =	vsel vm14, v20, v21  }
0xf4: {  	vm2 =	vgt.f32 v19, $7.000000000e+00;
	vm12 =	vmor vm3, vm1;
	v20 =	vmax.f32 v20, v12  }
0xf5: {  	vm1 =	vlt.f32 v19, $2.000000000e+00;
	vm3 =	vlt.f32 v19, $1.000000000e+00;
	v21 =	vsel vm15, v21, v20  }
0xf6: {  	vm10 =	vgt.f32 v19, $4.000000000e+00;
	vm14 =	veq.f32 v19, $1.100000000e+01;
	v21 =	vmax.f32 v21, v14  }
0xf7: {  	vm10 =	vmor vm10, vm8;
	vm15 =	vgt.f32 v19, $1.000000000e+00;
	v20 =	vsel vm14, v20, v21  }
0xf8: {  	vm8 =	vmor vm15, vm3;
	vm14 =	veq.f32 v19, $1.200000000e+01;
	v20 =	vmax.f32 v20, v15  }
0xf9: {  	vm15 =	vgt.f32 v19, $0.0e+00;
	v21 =	vsel vm14, v21, v20;
	vm14 =	vlt.f32 v19, $0.0e+00  }
0xfa: {  	v47 =	vld [tilespmem:$0x1FFE0];
	vm14 =	vmor vm15, vm14;
	vm15 =	veq.f32 v19, $1.300000000e+01;
	v21 =	vmax.f32 v21, v16  }
0xfb: {  	v48 =	vld [tilespmem:$0x1FFF0];
	vm13 =	vmor vm13, vm1;
	vm1 =	veq.f32 v19, $1.400000000e+01;
	v20 =	vsel vm15, v20, v21  }
0xfc: {  	[tilespmem:$0x1FF80] =	vst v22;
	vm0 =	veq.f32 v19, $1.500000000e+01;
	v22 =	vsel vm14, $0xFFFFFFFF, v46;
	v20 =	vmax.f32 v20, v17  }
0xfd: {  	vm14 =	vgt.f32 v19, $3.000000000e+00;
	v21 =	vsel vm1, v21, v20;
	vm1 =	vlt.f32 v19, $3.000000000e+00  }
0xfe: {  	vm3 =	vlt.f32 v19, $7.000000000e+00;
	v21 =	vmax.f32 v21, v18;
	vm14 =	vmor vm14, vm1  }
0xff: {  	v52 =	vld [tilespmem:$0x1FF80];
	vm1 =	vnez.u8 v47;
	v20 =	vsel vm0, v20, v21;
	vm0 =	vlt.f32 v19, $1.500000000e+01  }
0x100: {  	vm15 =	vmor vm2, vm3;
	vm2 =	vnez.u8 v48;
	vm0 =	vmor vm1, vm0  }
0x101: {  	vm1 =	vgt.f32 v19, $9.000000000e+00;
	vm3 =	veq.f32 v18, v20;
	v49 =	vadd.f32 v20, v9  }
0x102: {  	vm1 =	vmor vm1, vm2;
	vm0 =	vmand vm0, vm3;
	vm3 =	veq.f32 v17, v20  }
0x103: {  	vm2 =	veq.f32 v14, v20;
	vm3 =	vmand vm11, vm3;
	v50 =	vsel vm0, $0xF, v1  }
0x104: {  	vm0 =	veq.f32 v15, v20;
	vm11 =	vnez.u8 v52;
	(erf) = vrcp.f32 v49  }
0x105: {  	v51 =	vsel vm3, $0xE, v50;
	vm3 =	veq.f32 v16, v20;
	vm0 =	vmand vm4, vm0  }
0x106: {  	vm4 =	vmand vm7, vm2;
	vm3 =	vmand vm11, vm3;
	vm11 =	veq.f32 v12, v20  }
0x107: {  	vm2 =	veq.f32 v13, v20;
	v53 =	vsel vm3, $0xD, v51;
	vm3 =	vmand vm5, vm11  }
0x108: {  	vm11 =	veq.f32 v11, v20;
	v12 =	vsel vm0, $0xC, v53;
	vm0 =	vmand vm1, vm2  }
0x109: {  	vm1 =	vmand vm9, vm11;
	vm2 =	veq.f32 v10, v20;
	v54 =	vsel vm4, $0xB, v12  }
0x10a: {  	vm9 =	veq.f32 v8, v20;
	vm11 =	veq.f32 v7, v20;
	v55 =	vsel vm3, $0xA, v54  }
0x10b: {  	vm3 =	vmand vm15, vm2;
	vm15 =	vmand vm12, vm11;
	v56 =	vsel vm0, $0x9, v55  }
0x10c: {  	[tilespmem:$0x1FF90] =	vst v22;
	vm11 =	veq.f32 v4, v20;
	vm12 =	veq.f32 v6, v20;
	v57 =	vsel vm1, $0x8, v56  }
0x10d: {  	v63 =	vld [tilespmem:$0x1FF90];
	vm0 =	vmand vm6, vm9;
	vm9 =	veq.f32 v5, v20;
	v58 =	vsel vm3, $0x7, v57  }
0x10e: {  	vm4 =	vmand vm14, vm11;
	vm14 =	veq.f32 v2, v20;
	v59 =	vsel vm0, $0x6, v58  }
0x10f: {  	s14 =	sshll.u32 s14, $0x5;
	v2 =	vcvt.f32.s32 v62;
	vm10 =	vmand vm10, vm9;
	v4 =	vsel vm15, $0x5, v59  }
0x110: {  	s14 =	sand.u32 $0xFFFFFF00, s14;
	v60 =	vpop (erf);
	vm0 =	vmand vm13, vm12;
	vm13 =	veq.f32 v3, v20;
	v3 =	vsel vm10, $0x4, v4  }
0x111: {  	s13 =	sor.u32 s13, s14;
	v61 =	vmul.f32 v60, v9;
	v5 =	vmul.f32 v60, v20;
	v3 =	vsel vm4, $0x3, v3  }
0x112: {  	[tilespmem:s13+$0x2400] =	vst v2;
	vm1 =	vmand vm8, vm13;
	vm15 =	vnez.u8 v63;
	v3 =	vsel vm0, $0x2, v3  }
0x113: {  	[tilespmem:s13+$0x2000] =	vst v61;
	vm0 =	vmand vm15, vm14;
	v3 =	vsel vm1, $0x1, v3  }
0x114: {  	[tilespmem:s13+$0x2080] =	vst v5;
	v3 =	vsel vm0, $0x0, v3  }
0x115: {  	[tilespmem:s13+$0x2480] =	vst v3  }
0x116: {  	[hbm4b:s4+s2] =	stream.linear.scatter [tilespmem:s10], [sflag:$0x1], $0x400, $0x38;
	[tilespmem:$0x2800] =	vst v63  }
0x117: {  	s12 =	sadd.s32 $0x1, s12;
	_ =	swait.ge [sflag:s9], $0x400  }
0x118: {  	p0 =	sne.s32 s12, s6;
	[sflag:s9] =	ssyncset.done $0x0  }
.Ltmp1:
0x119: {  	[sflag:s9] =	ssyncadd.s32 $0xFFFFFC00;
	(pc) =	sbr.rel @p0 .LBB2_1-.Ltmp1, $4  }
0x11a: {  	[hbm4b:s5+s2] =	stream.linear.scatter [tilespmem:s11], [sflag:$0x1], $0x400, $0x38;
	[tilespmem:$0x2800] =	vst v63  }
0x11b: {  	_ =	swait.ge [sflag:s9], $0x400  }
0x11c: {  	[sflag:s9] =	ssyncset.done $0x0  }
0x11d: {  	[sflag:s9] =	ssyncadd.s32 $0xFFFFFC00  }
0x11e: {  	_ =	sfence.sel $0x180000  }
0x11f: {  	[bflag:$0x0] =	sbarrier.arrive $0xFFFF  }
0x120: {  	p0 =	sne.s32 s1, $0x0;
	_ =	strace $0x90000047  }
0x121: {  	s0 =	sadd.s32 @!p0 $0x100000, s0;
	[bflag:$0x2] =	sbarrier.arrive $0xFFFF  }
0x122: {  	[sflag:s0] =	ssyncadd.tile.s32 @!p0 $0x1;
	_ =	shalt  }
.Lfunc_end2:
_tile_overlayer_lowered:
.L_overlay_start_2:
0x123: {  	(tag) =	ssettag $0x2  }
0x124: {  	s0 =	rddreg [dreg:$0x0];
	s2 =	stileid.u32  }
0x125: {  	s1 =	rddreg [dreg:$0x1];
	p0 =	sne.s32 s2, $0x0  }
0x126: {  	s3 =	rddreg [dreg:$0x2];
	[bflag:$0x3] =	sbarrier.arrive $0xFFFF;
	s2 =	simm.s32 @!p0 $0x1C01  }
0x127: {  	[timem:s3], [sflag:s2] =	dma.local @!p0 [hbm:s0], s1  }
0x128: {  	s0 =	simm.s32 @!p0 $0x1  }
0x129: {  	_ =	swait.ge @!p0 [sflag:s0], s1  }
0x12a: {  	s1 =	ssub.s32 @!p0 $0x0, s1;
	[sflag:s0] =	ssyncset.done @!p0 $0x0  }
0x12b: {  	[sflag:s0] =	ssyncadd.s32 @!p0 s1  }
0x12c: {  	[bflag:$0x3] =	sbarrier.arrive $0xFFFF  }
0x12d: {  	_ =	shalt  }

</sc_bundles>
